<compile_context>
chip_gen: v7x
topology: tpu7x:2x2x1
jax: 0.10.2.dev20260603
libtpu: 0.0.44.dev20260713+nightly
codegen_flags: <defaults>
</compile_context>

<pallas_src>
import functools

import jax
import jax.numpy as jnp
from jax import lax
from jax.experimental import pallas as pl
from jax.experimental.pallas import tpu as pltpu
from jax.experimental.pallas import tpu_sc as plsc

HIDDEN = 768
C = 16
W = 512
B = 1024
BM = 128
NB = B // BM
G = NB + C


def _router_body(h_ref, psi_ref, tc_col_ref,
                 p_c_ref, rank_ref, sidx_ref):
    logits = lax.dot_general(
        h_ref[...], psi_ref[...], (((1,), (1,)), ((), ())),
        preferred_element_type=jnp.float32)
    m = jnp.max(logits, axis=1, keepdims=True)
    e = jnp.exp(logits - m)
    p_c_ref[...] = e / jnp.sum(e, axis=1, keepdims=True)

    tcc = tc_col_ref[...]
    cidr = lax.broadcasted_iota(jnp.int32, (1, C), 1)
    oneh = jnp.where(tcc == cidr, 1.0, 0.0)

    bic = lax.broadcasted_iota(jnp.int32, (B, 1), 0)
    bir = lax.broadcasted_iota(jnp.int32, (1, B), 1)
    lt = jnp.where(bir < bic, 1.0, 0.0)
    cs = jnp.dot(lt, oneh, preferred_element_type=jnp.float32)

    hist = jnp.sum(oneh, axis=0, keepdims=True)
    cidc = lax.broadcasted_iota(jnp.int32, (C, 1), 0)
    lt16 = jnp.where(cidc < cidr, 1.0, 0.0)
    off = jnp.dot(hist, lt16, preferred_element_type=jnp.float32)

    rank = jnp.sum((cs + off) * oneh, axis=1, keepdims=True)
    rank_i = rank.astype(jnp.int32)
    rank_ref[...] = rank_i

    sel = rank_i == bir
    sidx_ref[...] = jnp.sum(jnp.where(sel, bic, 0), axis=0, keepdims=True)


def _meta_body(tc_col_ref, tc_row_ref,
               wb_ref, wc_ref, vld_ref, lastf_ref, off_ref, hist_ref):
    tcc = tc_col_ref[...]
    tcr = tc_row_ref[...]
    cidr = lax.broadcasted_iota(jnp.int32, (1, C), 1)
    cidc = lax.broadcasted_iota(jnp.int32, (C, 1), 0)
    oneh = jnp.where(tcc == cidr, 1.0, 0.0)
    onehT = jnp.where(tcr == cidc, 1.0, 0.0)
    hist_row = jnp.sum(oneh, axis=0, keepdims=True)
    hist_col = jnp.sum(onehT, axis=1, keepdims=True)
    lt16 = jnp.where(cidc < cidr, 1.0, 0.0)
    m16 = jnp.where(cidr < cidc, 1.0, 0.0)
    off_row = jnp.dot(hist_row, lt16,
                      preferred_element_type=jnp.float32).astype(jnp.int32)
    off_col = jnp.dot(m16, hist_col,
                      preferred_element_type=jnp.float32).astype(jnp.int32)
    hist_row = hist_row.astype(jnp.int32)
    hist_col = hist_col.astype(jnp.int32)
    seg_end_row = off_row + hist_row

    ev_c = lax.broadcasted_iota(jnp.int32, (G, 1), 0)
    ev_r = lax.broadcasted_iota(jnp.int32, (1, G), 1)
    zc = jnp.zeros((NB, 1), jnp.int32)
    zr = jnp.zeros((1, NB), jnp.int32)
    off_ce_c = jnp.concatenate([zc, off_col], axis=0)
    hist_ce_c = jnp.concatenate([zc, hist_col], axis=0)
    off_ce_r = jnp.concatenate([zr, off_row], axis=1)
    hist_ce_r = jnp.concatenate([zr, hist_row], axis=1)
    isb_c = ev_c < NB
    isb_r = ev_r < NB
    cev_c = (~isb_c) & (hist_ce_c > 0) & (off_ce_c % BM != 0)
    cev_r = (~isb_r) & (hist_ce_r > 0) & (off_ce_r % BM != 0)
    pos_c = jnp.where(isb_c, ev_c * BM,
                      jnp.where(cev_c, off_ce_c, B + BM + ev_c))
    pos_r = jnp.where(isb_r, ev_r * BM,
                      jnp.where(cev_r, off_ce_r, B + BM + ev_r))
    g_col = jnp.sum(jnp.where(pos_r < pos_c, 1, 0), axis=1, keepdims=True)
    blk_c = jnp.where(isb_c, ev_c,
                      jnp.where(cev_c, off_ce_c // BM, NB - 1))
    c_at_p = jnp.sum(jnp.where(seg_end_row <= ev_c * BM, 1, 0),
                     axis=1, keepdims=True)
    c_last = jnp.sum(jnp.where(seg_end_row <= B - 1, 1, 0),
                     axis=1, keepdims=True)
    c_e = jnp.where(isb_c, c_at_p, jnp.where(cev_c, ev_c - NB, c_last))
    onehot_g = jnp.where(g_col == ev_r, 1, 0)
    wb_row = jnp.sum(onehot_g * blk_c, axis=0, keepdims=True)
    wc_row = jnp.sum(onehot_g * c_e, axis=0, keepdims=True)
    total = NB + jnp.sum(jnp.where(cev_c, 1, 0), axis=0, keepdims=True)
    valid = jnp.where(ev_r < total, 1, 0)
    wb_next = jnp.concatenate(
        [wb_row[:, 1:], jnp.full((1, 1), -1, jnp.int32)], axis=1)
    lastf = valid * jnp.where((ev_r == total - 1) | (wb_next != wb_row), 1, 0)
    wb_ref[...] = wb_row
    wc_ref[...] = wc_row
    vld_ref[...] = valid
    lastf_ref[...] = lastf
    off_ref[...] = off_col
    hist_ref[...] = hist_col


def _group_body(wb_ref, wc_ref, vld_ref, off_ref, hist_ref, last_ref,
                x_ref, w1_ref, w2_ref, b_ref, mp_ref, mn_ref, o_ref):
    g = pl.program_id(0)
    c = wc_ref[0, g]
    blk = wb_ref[0, g]
    start = off_ref[c, 0]
    cnt = hist_ref[c, 0]
    rows = blk * BM + lax.broadcasted_iota(jnp.int32, (BM, 1), 0)
    rmask = (rows >= start) & (rows < start + cnt)

    @pl.when(vld_ref[0, g] == 1)
    def _():
        x = x_ref[...].astype(jnp.bfloat16)
        for half, wr in ((0, w1_ref), (1, w2_ref)):
            sl = slice(half * (W // 2), (half + 1) * (W // 2))
            acc = jnp.dot(x, wr[0].astype(jnp.bfloat16),
                          preferred_element_type=jnp.float32)
            vals = acc + b_ref[0][:, sl]
            f = jnp.where(vals > 0, vals, vals * mp_ref[0][:, sl])
            f = f * mn_ref[0][:, sl]
            o_ref[:, sl] = jnp.where(rmask, f, o_ref[:, sl])

    @pl.when(last_ref[0, g] == 1)
    def _():
        f = o_ref[...]
        m = jnp.max(f, axis=1, keepdims=True)
        e = jnp.exp(f - m)
        o_ref[...] = e / jnp.sum(e, axis=1, keepdims=True)


def _sc_permute_rows(table, idx, ncols, scatter):
    info = plsc.get_sparse_core_info()
    nw = info.num_cores * info.num_subcores
    bpw = B // nw
    mesh = plsc.VectorSubcoreMesh(core_axis_name="c", subcore_axis_name="s")

    @functools.partial(
        pl.kernel, mesh=mesh,
        out_type=jax.ShapeDtypeStruct((B, ncols), jnp.float32),
        scratch_types=[
            pltpu.VMEM((bpw,), jnp.int32),
            pltpu.VMEM((bpw, ncols), jnp.float32),
            pltpu.SemaphoreType.DMA,
        ],
    )
    def k(table_hbm, idx_hbm, out_hbm, idx_v, rows_v, sem):
        wid = lax.axis_index("s") * info.num_cores + lax.axis_index("c")
        base = wid * bpw
        pltpu.sync_copy(idx_hbm.at[pl.ds(base, bpw)], idx_v)
        if scatter:
            pltpu.sync_copy(table_hbm.at[pl.ds(base, bpw)], rows_v)
            pltpu.async_copy(rows_v, out_hbm.at[idx_v], sem).wait()
        else:
            pltpu.async_copy(table_hbm.at[idx_v], rows_v, sem).wait()
            pltpu.sync_copy(rows_v, out_hbm.at[pl.ds(base, bpw)])

    return k(table, idx)


def kernel(h_p, target_cluster, psi_W, phi_W, phi_b, mask_neg, mask_pos):
    tc = target_cluster.astype(jnp.int32)
    tc_col = tc.reshape(B, 1)

    p_c, rank2, sidx2 = pl.pallas_call(
        _router_body,
        out_shape=[
            jax.ShapeDtypeStruct((B, C), jnp.float32),
            jax.ShapeDtypeStruct((B, 1), jnp.int32),
            jax.ShapeDtypeStruct((1, B), jnp.int32),
        ],
    )(h_p, psi_W, tc_col)

    rank = rank2.reshape(B)
    sidx = sidx2.reshape(B)

    wb, wc, valid, lastf, off_c, hist_c = pl.pallas_call(
        _meta_body,
        out_shape=[
            jax.ShapeDtypeStruct((1, G), jnp.int32),
            jax.ShapeDtypeStruct((1, G), jnp.int32),
            jax.ShapeDtypeStruct((1, G), jnp.int32),
            jax.ShapeDtypeStruct((1, G), jnp.int32),
            jax.ShapeDtypeStruct((C, 1), jnp.int32),
            jax.ShapeDtypeStruct((C, 1), jnp.int32),
        ],
    )(tc_col, tc.reshape(1, B))

    h_sorted = _sc_permute_rows(h_p, sidx, HIDDEN, scatter=False)

    spec = lambda bs, im: pl.BlockSpec(bs, im)
    grid_spec = pltpu.PrefetchScalarGridSpec(
        num_scalar_prefetch=6,
        grid=(G,),
        in_specs=[
            spec((BM, HIDDEN), lambda g, wb, wc, v, o, h, lf: (wb[0, g], 0)),
            spec((1, HIDDEN, W // 2),
                 lambda g, wb, wc, v, o, h, lf: (wc[0, g], 0, 0)),
            spec((1, HIDDEN, W // 2),
                 lambda g, wb, wc, v, o, h, lf: (wc[0, g], 0, 1)),
            spec((1, 1, W), lambda g, wb, wc, v, o, h, lf: (wc[0, g], 0, 0)),
            spec((1, 1, W), lambda g, wb, wc, v, o, h, lf: (wc[0, g], 0, 0)),
            spec((1, 1, W), lambda g, wb, wc, v, o, h, lf: (wc[0, g], 0, 0)),
        ],
        out_specs=spec((BM, W), lambda g, wb, wc, v, o, h, lf: (wb[0, g], 0)),
    )
    p_w_sorted = pl.pallas_call(
        _group_body,
        grid_spec=grid_spec,
        out_shape=jax.ShapeDtypeStruct((B, W), jnp.float32),
    )(wb, wc, valid, off_c, hist_c, lastf,
      h_sorted, phi_W, phi_W, phi_b.reshape(C, 1, W),
      mask_pos.reshape(C, 1, W), mask_neg.reshape(C, 1, W))

    p_w = _sc_permute_rows(p_w_sorted, rank, W, scatter=False)

    return (p_c, p_w)

# --- scband reference (transcript-rebuilt; emitter-appended) ---
"""Pipeline reference for scband-cfsm-56762287784215 (READ-ONLY COPY).

The authoritative reference and input builder live on the scoring server;
editing this copy changes nothing except your own understanding.
"""

import jax, jax.numpy as jnp
import numpy as np

HIDDEN = 768
C = 16      # cluster_num
W = 512     # word_num (max cluster size)
B = 1024    # batch_size


def setup_inputs(seed: int = 0) -> dict:
    key = jax.random.key(seed)
    ks = jax.random.split(key, 6)
    h_p = jax.random.normal(ks[0], (B, HIDDEN), dtype=jnp.float32)
    target_cluster = jax.random.randint(ks[1], (B,), 0, C)
    # learned parameters
    psi_W = jax.random.normal(ks[2], (C, HIDDEN), dtype=jnp.float32) * 0.02   # router, no bias
    phi_W = jax.random.normal(ks[3], (C, HIDDEN, W), dtype=jnp.float32) * 0.02  # per-cluster output proj
    phi_b = jax.random.normal(ks[4], (C, W), dtype=jnp.float32) * 0.02          # per-cluster bias
    # buffers: per-cluster masks from cluster sizes (gen_cluster_mask)
    sizes = jax.random.randint(ks[5], (C,), W // 2, W + 1)
    j = jnp.arange(W)[None, :]
    invalid = j >= sizes[:, None]
    mask_neg = jnp.where(invalid, -100000.0, 1.0).astype(jnp.float32)
    mask_pos = jnp.where(invalid, -1.0, 1.0).astype(jnp.float32)
    return {
        'h_p': h_p,
        'target_cluster': target_cluster,
        'psi_W': psi_W,
        'phi_W': phi_W,
        'phi_b': phi_b,
        'mask_neg': mask_neg,
        'mask_pos': mask_pos,
    }


def reference(h_p, target_cluster, psi_W, phi_W, phi_b, mask_neg, mask_pos):
    # p_c = softmax(psi(h_p))
    p_c = jax.nn.softmax(h_p @ psi_W.T, axis=1)
    # vectorized form of the per-sample loop: compute every cluster's phi
    # output then select the target cluster's row (same math as loop)
    logits_all = jnp.einsum('bd,cdw->bcw', h_p, phi_W) + phi_b[None, :, :]
    phi_out = jnp.take_along_axis(
        logits_all, target_cluster[:, None, None], axis=1
    )[:, 0, :]  # [B, W]
    mp = jnp.take(mask_pos, target_cluster, axis=0)  # [B, W]
    mn = jnp.take(mask_neg, target_cluster, axis=0)  # [B, W]
    filter_out = jnp.where(phi_out > 0, phi_out, phi_out * mp)
    filter_out = filter_out * mn
    p_w = jax.nn.softmax(filter_out, axis=1)
    return (p_c, p_w)

if __name__ == "__main__":
    import jax
    _d = setup_inputs()
    print(jax.jit(kernel)(*tuple(_d.values())))

</pallas_src>

<mosaic_0001>
#map = affine_map<(d0, d1) -> (0, 0)>
#map1 = affine_map<(d0, d1) -> (0)>
module attributes {stable_mosaic.version = 14 : i64} {
  func.func @k(%arg0: i32, %arg1: i32, %arg2: memref<1024x768xf32, #tpu.memory_space<hbm>>, %arg3: memref<1024xi32, #tpu.memory_space<hbm>>, %arg4: memref<1024x768xf32, #tpu.memory_space<hbm>>, %arg5: memref<32xi32, #tpu.memory_space<vmem>>, %arg6: memref<32x768xf32, #tpu.memory_space<vmem>>, %arg7: memref<!tpu.dma_semaphore, #tpu.memory_space<semaphore_mem>>) attributes {dimension_semantics = [#tpu.dimension_semantics<core_parallel>, #tpu.dimension_semantics<subcore_parallel>], iteration_bounds = array<i64: 2, 16>, scalar_prefetch = 0 : i64, scratch_operands = 3 : i64, tpu.core_type = #tpu.core_type<sc_vector_subcore>, window_params = [{transform_indices = #map}, {transform_indices = #map1}, {transform_indices = #map}]} {
    %mul3A = arith.constant 2 : i32
    %mul3A_0 = arith.muli %arg1, %mul3A : i32
    %add3A = arith.addi %mul3A_0, %arg0 : i32
    %mul3A_1 = arith.constant 32 : i32
    %mul3A_2 = arith.muli %add3A, %mul3A_1 : i32
    "tpu.region"() ({
      %run_scoped3A = tpu.sem_alloc : memref<!tpu.dma_semaphore, #tpu.memory_space<semaphore_mem>>
      %dma_start3A_7 = tpu.memref_slice %arg3[%mul3A_2] : memref<1024xi32, #tpu.memory_space<hbm>> -> memref<32xi32, #tpu.memory_space<hbm>>
      %dma_start3A_8 = tpu.memref_slice %arg3[%mul3A_2] : memref<1024xi32, #tpu.memory_space<hbm>> -> memref<32xi32, #tpu.memory_space<hbm>>
      tpu.enqueue_dma source(%dma_start3A_8 : memref<32xi32, #tpu.memory_space<hbm>>) target(%arg5 : memref<32xi32, #tpu.memory_space<vmem>>) target_semaphore(%run_scoped3A : memref<!tpu.dma_semaphore, #tpu.memory_space<semaphore_mem>>)
      %dma_wait3A_9 = tpu.memref_slice %arg3[%mul3A_2] : memref<1024xi32, #tpu.memory_space<hbm>> -> memref<32xi32, #tpu.memory_space<hbm>>
      %dma_wait3A_10 = tpu.memref_slice %arg3[%mul3A_2] : memref<1024xi32, #tpu.memory_space<hbm>> -> memref<32xi32, #tpu.memory_space<hbm>>
      tpu.wait_dma2 semaphore(%run_scoped3A : memref<!tpu.dma_semaphore, #tpu.memory_space<semaphore_mem>>) src(%dma_wait3A_10 : memref<32xi32, #tpu.memory_space<hbm>>) dst(%arg5 : memref<32xi32, #tpu.memory_space<vmem>>)
      tpu.yield
    }) : () -> ()
    %dma_start3A = arith.constant 0 : i32
    %dma_start3A_3 = arith.constant 0 : i32
    %dma_start3A_4 = tpu.memref_slice %arg2[%dma_start3A, %dma_start3A_3] : memref<1024x768xf32, #tpu.memory_space<hbm>> -> memref<1024x768xf32, #tpu.memory_space<hbm>>
    tpu.enqueue_indirect_dma source(%dma_start3A_4 : memref<1024x768xf32, #tpu.memory_space<hbm>>) target(%arg6 : memref<32x768xf32, #tpu.memory_space<vmem>>) offsets(%arg5 : memref<32xi32, #tpu.memory_space<vmem>>) semaphore(%arg7 : memref<!tpu.dma_semaphore, #tpu.memory_space<semaphore_mem>>)
    %dma_wait3A = arith.constant 0 : i32
    %dma_wait3A_5 = arith.constant 0 : i32
    %dma_wait3A_6 = tpu.memref_slice %arg2[%dma_wait3A, %dma_wait3A_5] : memref<1024x768xf32, #tpu.memory_space<hbm>> -> memref<1024x768xf32, #tpu.memory_space<hbm>>
    tpu.wait_indirect_dma semaphore(%arg7 : memref<!tpu.dma_semaphore, #tpu.memory_space<semaphore_mem>>) src(%dma_wait3A_6 : memref<1024x768xf32, #tpu.memory_space<hbm>>) dst(%arg6 : memref<32x768xf32, #tpu.memory_space<vmem>>)
    "tpu.region"() ({
      %run_scoped3A = tpu.sem_alloc : memref<!tpu.dma_semaphore, #tpu.memory_space<semaphore_mem>>
      %dma_start3A_7 = arith.constant 0 : i32
      %dma_start3A_8 = tpu.memref_slice %arg4[%mul3A_2, %dma_start3A_7] : memref<1024x768xf32, #tpu.memory_space<hbm>> -> memref<32x768xf32, #tpu.memory_space<hbm>>
      %dma_start3A_9 = arith.constant 0 : i32
      %dma_start3A_10 = tpu.memref_slice %arg4[%mul3A_2, %dma_start3A_9] : memref<1024x768xf32, #tpu.memory_space<hbm>> -> memref<32x768xf32, #tpu.memory_space<hbm>>
      tpu.enqueue_dma source(%arg6 : memref<32x768xf32, #tpu.memory_space<vmem>>) target(%dma_start3A_10 : memref<32x768xf32, #tpu.memory_space<hbm>>) target_semaphore(%run_scoped3A : memref<!tpu.dma_semaphore, #tpu.memory_space<semaphore_mem>>)
      %dma_wait3A_11 = arith.constant 0 : i32
      %dma_wait3A_12 = tpu.memref_slice %arg4[%mul3A_2, %dma_wait3A_11] : memref<1024x768xf32, #tpu.memory_space<hbm>> -> memref<32x768xf32, #tpu.memory_space<hbm>>
      %dma_wait3A_13 = arith.constant 0 : i32
      %dma_wait3A_14 = tpu.memref_slice %arg4[%mul3A_2, %dma_wait3A_13] : memref<1024x768xf32, #tpu.memory_space<hbm>> -> memref<32x768xf32, #tpu.memory_space<hbm>>
      tpu.wait_dma2 semaphore(%run_scoped3A : memref<!tpu.dma_semaphore, #tpu.memory_space<semaphore_mem>>) src(%arg6 : memref<32x768xf32, #tpu.memory_space<vmem>>) dst(%dma_wait3A_14 : memref<32x768xf32, #tpu.memory_space<hbm>>)
      tpu.yield
    }) : () -> ()
    return
  }
}

#map = affine_map<(d0, d1) -> (0, 0)>
#map1 = affine_map<(d0, d1) -> (0)>
module attributes {stable_mosaic.version = 14 : i64} {
  func.func @k(%arg0: i32, %arg1: i32, %arg2: memref<1024x512xf32, #tpu.memory_space<hbm>>, %arg3: memref<1024xi32, #tpu.memory_space<hbm>>, %arg4: memref<1024x512xf32, #tpu.memory_space<hbm>>, %arg5: memref<32xi32, #tpu.memory_space<vmem>>, %arg6: memref<32x512xf32, #tpu.memory_space<vmem>>, %arg7: memref<!tpu.dma_semaphore, #tpu.memory_space<semaphore_mem>>) attributes {dimension_semantics = [#tpu.dimension_semantics<core_parallel>, #tpu.dimension_semantics<subcore_parallel>], iteration_bounds = array<i64: 2, 16>, scalar_prefetch = 0 : i64, scratch_operands = 3 : i64, tpu.core_type = #tpu.core_type<sc_vector_subcore>, window_params = [{transform_indices = #map}, {transform_indices = #map1}, {transform_indices = #map}]} {
    %mul3A = arith.constant 2 : i32
    %mul3A_0 = arith.muli %arg1, %mul3A : i32
    %add3A = arith.addi %mul3A_0, %arg0 : i32
    %mul3A_1 = arith.constant 32 : i32
    %mul3A_2 = arith.muli %add3A, %mul3A_1 : i32
    "tpu.region"() ({
      %run_scoped3A = tpu.sem_alloc : memref<!tpu.dma_semaphore, #tpu.memory_space<semaphore_mem>>
      %dma_start3A_7 = tpu.memref_slice %arg3[%mul3A_2] : memref<1024xi32, #tpu.memory_space<hbm>> -> memref<32xi32, #tpu.memory_space<hbm>>
      %dma_start3A_8 = tpu.memref_slice %arg3[%mul3A_2] : memref<1024xi32, #tpu.memory_space<hbm>> -> memref<32xi32, #tpu.memory_space<hbm>>
      tpu.enqueue_dma source(%dma_start3A_8 : memref<32xi32, #tpu.memory_space<hbm>>) target(%arg5 : memref<32xi32, #tpu.memory_space<vmem>>) target_semaphore(%run_scoped3A : memref<!tpu.dma_semaphore, #tpu.memory_space<semaphore_mem>>)
      %dma_wait3A_9 = tpu.memref_slice %arg3[%mul3A_2] : memref<1024xi32, #tpu.memory_space<hbm>> -> memref<32xi32, #tpu.memory_space<hbm>>
      %dma_wait3A_10 = tpu.memref_slice %arg3[%mul3A_2] : memref<1024xi32, #tpu.memory_space<hbm>> -> memref<32xi32, #tpu.memory_space<hbm>>
      tpu.wait_dma2 semaphore(%run_scoped3A : memref<!tpu.dma_semaphore, #tpu.memory_space<semaphore_mem>>) src(%dma_wait3A_10 : memref<32xi32, #tpu.memory_space<hbm>>) dst(%arg5 : memref<32xi32, #tpu.memory_space<vmem>>)
      tpu.yield
    }) : () -> ()
    %dma_start3A = arith.constant 0 : i32
    %dma_start3A_3 = arith.constant 0 : i32
    %dma_start3A_4 = tpu.memref_slice %arg2[%dma_start3A, %dma_start3A_3] : memref<1024x512xf32, #tpu.memory_space<hbm>> -> memref<1024x512xf32, #tpu.memory_space<hbm>>
    tpu.enqueue_indirect_dma source(%dma_start3A_4 : memref<1024x512xf32, #tpu.memory_space<hbm>>) target(%arg6 : memref<32x512xf32, #tpu.memory_space<vmem>>) offsets(%arg5 : memref<32xi32, #tpu.memory_space<vmem>>) semaphore(%arg7 : memref<!tpu.dma_semaphore, #tpu.memory_space<semaphore_mem>>)
    %dma_wait3A = arith.constant 0 : i32
    %dma_wait3A_5 = arith.constant 0 : i32
    %dma_wait3A_6 = tpu.memref_slice %arg2[%dma_wait3A, %dma_wait3A_5] : memref<1024x512xf32, #tpu.memory_space<hbm>> -> memref<1024x512xf32, #tpu.memory_space<hbm>>
    tpu.wait_indirect_dma semaphore(%arg7 : memref<!tpu.dma_semaphore, #tpu.memory_space<semaphore_mem>>) src(%dma_wait3A_6 : memref<1024x512xf32, #tpu.memory_space<hbm>>) dst(%arg6 : memref<32x512xf32, #tpu.memory_space<vmem>>)
    "tpu.region"() ({
      %run_scoped3A = tpu.sem_alloc : memref<!tpu.dma_semaphore, #tpu.memory_space<semaphore_mem>>
      %dma_start3A_7 = arith.constant 0 : i32
      %dma_start3A_8 = tpu.memref_slice %arg4[%mul3A_2, %dma_start3A_7] : memref<1024x512xf32, #tpu.memory_space<hbm>> -> memref<32x512xf32, #tpu.memory_space<hbm>>
      %dma_start3A_9 = arith.constant 0 : i32
      %dma_start3A_10 = tpu.memref_slice %arg4[%mul3A_2, %dma_start3A_9] : memref<1024x512xf32, #tpu.memory_space<hbm>> -> memref<32x512xf32, #tpu.memory_space<hbm>>
      tpu.enqueue_dma source(%arg6 : memref<32x512xf32, #tpu.memory_space<vmem>>) target(%dma_start3A_10 : memref<32x512xf32, #tpu.memory_space<hbm>>) target_semaphore(%run_scoped3A : memref<!tpu.dma_semaphore, #tpu.memory_space<semaphore_mem>>)
      %dma_wait3A_11 = arith.constant 0 : i32
      %dma_wait3A_12 = tpu.memref_slice %arg4[%mul3A_2, %dma_wait3A_11] : memref<1024x512xf32, #tpu.memory_space<hbm>> -> memref<32x512xf32, #tpu.memory_space<hbm>>
      %dma_wait3A_13 = arith.constant 0 : i32
      %dma_wait3A_14 = tpu.memref_slice %arg4[%mul3A_2, %dma_wait3A_13] : memref<1024x512xf32, #tpu.memory_space<hbm>> -> memref<32x512xf32, #tpu.memory_space<hbm>>
      tpu.wait_dma2 semaphore(%run_scoped3A : memref<!tpu.dma_semaphore, #tpu.memory_space<semaphore_mem>>) src(%arg6 : memref<32x512xf32, #tpu.memory_space<vmem>>) dst(%dma_wait3A_14 : memref<32x512xf32, #tpu.memory_space<hbm>>)
      tpu.yield
    }) : () -> ()
    return
  }
}

module attributes {stable_mosaic.version = 14 : i64} {
  func.func @_router_body(%arg0: memref<1024x768xf32, #tpu.memory_space<vmem>>, %arg1: memref<16x768xf32, #tpu.memory_space<vmem>>, %arg2: memref<1024x1xi32, #tpu.memory_space<vmem>>, %arg3: memref<1024x16xf32, #tpu.memory_space<vmem>>, %arg4: memref<1024x1xi32, #tpu.memory_space<vmem>>, %arg5: memref<1x1024xi32, #tpu.memory_space<vmem>>) attributes {dimension_semantics = [], scalar_prefetch = 0 : i64, scratch_operands = 0 : i64, tpu.core_type = #tpu.core_type<tc>} {
    %get3A = arith.constant 0 : index
    %get3A_0 = arith.constant 0 : index
    %get3A_1 = vector.load %arg0[%get3A, %get3A_0] : memref<1024x768xf32, #tpu.memory_space<vmem>>, vector<1024x768xf32>
    %get3A_2 = arith.constant 0 : index
    %get3A_3 = arith.constant 0 : index
    %get3A_4 = vector.load %arg1[%get3A_2, %get3A_3] : memref<16x768xf32, #tpu.memory_space<vmem>>, vector<16x768xf32>
    %dot_general3A = arith.constant dense<0.000000e+00> : vector<1024x16xf32>
    %dot_general3A_5 = tpu.matmul %get3A_1, %get3A_4, %dot_general3A {dimension_numbers = #tpu.dot_dimension_numbers<[1], [1], [0], [0], [0, 0, 1, 0], [], []>, transpose_lhs_hint = false} : vector<1024x768xf32>, vector<16x768xf32>, vector<1024x16xf32> -> vector<1024x16xf32>
    %reduce_max3A = arith.constant dense<0xFF800000> : vector<1024xf32>
    %reduce_max3A_6 = vector.multi_reduction <maximumf>, %dot_general3A_5, %reduce_max3A [1] : vector<1024x16xf32> to vector<1024xf32>
    %broadcast_in_dim3A = vector.shape_cast %reduce_max3A_6 : vector<1024xf32> to vector<1024x1xf32>
    %sub3A = vector.broadcast %broadcast_in_dim3A : vector<1024x1xf32> to vector<1024x16xf32>
    %sub3A_7 = arith.subf %dot_general3A_5, %sub3A : vector<1024x16xf32>
    %exp3A = math.exp %sub3A_7 : vector<1024x16xf32>
    %reduce_sum3A = arith.constant dense<0.000000e+00> : vector<1024xf32>
    %reduce_sum3A_8 = vector.multi_reduction <add>, %exp3A, %reduce_sum3A [1] : vector<1024x16xf32> to vector<1024xf32>
    %broadcast_in_dim3A_9 = vector.shape_cast %reduce_sum3A_8 : vector<1024xf32> to vector<1024x1xf32>
    %div3A = vector.broadcast %broadcast_in_dim3A_9 : vector<1024x1xf32> to vector<1024x16xf32>
    %div3A_10 = arith.divf %exp3A, %div3A : vector<1024x16xf32>
    %swap3A = arith.constant 0 : index
    %swap3A_11 = arith.constant 0 : index
    %swap3A_12 = vector.load %arg3[%swap3A, %swap3A_11] : memref<1024x16xf32, #tpu.memory_space<vmem>>, vector<1024x16xf32>
    tpu.vector_store %arg3[%swap3A, %swap3A_11], %div3A_10 {strides = array<i32>} : memref<1024x16xf32, #tpu.memory_space<vmem>>, vector<1024x16xf32>,
    %get3A_13 = arith.constant 0 : index
    %get3A_14 = arith.constant 0 : index
    %get3A_15 = vector.load %arg2[%get3A_13, %get3A_14] : memref<1024x1xi32, #tpu.memory_space<vmem>>, vector<1024x1xi32>
    %iota3A = tpu.iota {dimensions = array<i32: 1>} : vector<1x16xi32>
    %eq3A = vector.broadcast %get3A_15 : vector<1024x1xi32> to vector<1024x16xi32>
    %eq3A_16 = vector.broadcast %iota3A : vector<1x16xi32> to vector<1024x16xi32>
    %eq3A_17 = arith.cmpi eq, %eq3A, %eq3A_16 : vector<1024x16xi32>
    %jit3A = arith.constant 1.000000e+00 : f32
    %jit3A_18 = arith.constant 0.000000e+00 : f32
    %broadcast_in_dim3A_19 = vector.broadcast %jit3A : f32 to vector<1024x16xf32>
    %broadcast_in_dim3A_20 = vector.broadcast %jit3A_18 : f32 to vector<1024x16xf32>
    %select_n3A = arith.select %eq3A_17, %broadcast_in_dim3A_19, %broadcast_in_dim3A_20 : vector<1024x16xi1>, vector<1024x16xf32>
    %iota3A_21 = tpu.iota {dimensions = array<i32: 0>} : vector<1024x1xi32>
    %iota3A_22 = tpu.iota {dimensions = array<i32: 1>} : vector<1x1024xi32>
    %lt3A = vector.broadcast %iota3A_22 : vector<1x1024xi32> to vector<1024x1024xi32>
    %lt3A_23 = vector.broadcast %iota3A_21 : vector<1024x1xi32> to vector<1024x1024xi32>
    %lt3A_24 = arith.cmpi slt, %lt3A, %lt3A_23 : vector<1024x1024xi32>
    %jit3A_25 = arith.constant 1.000000e+00 : f32
    %jit3A_26 = arith.constant 0.000000e+00 : f32
    %broadcast_in_dim3A_27 = vector.broadcast %jit3A_25 : f32 to vector<1024x1024xf32>
    %broadcast_in_dim3A_28 = vector.broadcast %jit3A_26 : f32 to vector<1024x1024xf32>
    %select_n3A_29 = arith.select %lt3A_24, %broadcast_in_dim3A_27, %broadcast_in_dim3A_28 : vector<1024x1024xi1>, vector<1024x1024xf32>
    %dot_general3A_30 = arith.constant dense<0.000000e+00> : vector<1024x16xf32>
    %dot_general3A_31 = tpu.matmul %select_n3A_29, %select_n3A, %dot_general3A_30 {dimension_numbers = #tpu.dot_dimension_numbers<[1], [0], [0], [1], [0, 0, 1, 1], [], []>, transpose_lhs_hint = false} : vector<1024x1024xf32>, vector<1024x16xf32>, vector<1024x16xf32> -> vector<1024x16xf32>
    %reduce_sum3A_32 = arith.constant dense<0.000000e+00> : vector<16xf32>
    %reduce_sum3A_33 = vector.multi_reduction <add>, %select_n3A, %reduce_sum3A_32 [0] : vector<1024x16xf32> to vector<16xf32>
    %broadcast_in_dim3A_34 = vector.shape_cast %reduce_sum3A_33 : vector<16xf32> to vector<1x16xf32>
    %iota3A_35 = tpu.iota {dimensions = array<i32: 0>} : vector<16x1xi32>
    %lt3A_36 = vector.broadcast %iota3A_35 : vector<16x1xi32> to vector<16x16xi32>
    %lt3A_37 = vector.broadcast %iota3A : vector<1x16xi32> to vector<16x16xi32>
    %lt3A_38 = arith.cmpi slt, %lt3A_36, %lt3A_37 : vector<16x16xi32>
    %jit3A_39 = arith.constant 1.000000e+00 : f32
    %jit3A_40 = arith.constant 0.000000e+00 : f32
    %broadcast_in_dim3A_41 = vector.broadcast %jit3A_39 : f32 to vector<16x16xf32>
    %broadcast_in_dim3A_42 = vector.broadcast %jit3A_40 : f32 to vector<16x16xf32>
    %select_n3A_43 = arith.select %lt3A_38, %broadcast_in_dim3A_41, %broadcast_in_dim3A_42 : vector<16x16xi1>, vector<16x16xf32>
    %dot_general3A_44 = arith.constant dense<0.000000e+00> : vector<1x16xf32>
    %dot_general3A_45 = tpu.matmul %broadcast_in_dim3A_34, %select_n3A_43, %dot_general3A_44 {dimension_numbers = #tpu.dot_dimension_numbers<[1], [0], [0], [1], [0, 0, 1, 1], [], []>, transpose_lhs_hint = false} : vector<1x16xf32>, vector<16x16xf32>, vector<1x16xf32> -> vector<1x16xf32>
    %add3A = vector.broadcast %dot_general3A_45 : vector<1x16xf32> to vector<1024x16xf32>
    %add3A_46 = arith.addf %dot_general3A_31, %add3A : vector<1024x16xf32>
    %mul3A = arith.mulf %add3A_46, %select_n3A : vector<1024x16xf32>
    %reduce_sum3A_47 = arith.constant dense<0.000000e+00> : vector<1024xf32>
    %reduce_sum3A_48 = vector.multi_reduction <add>, %mul3A, %reduce_sum3A_47 [1] : vector<1024x16xf32> to vector<1024xf32>
    %broadcast_in_dim3A_49 = vector.shape_cast %reduce_sum3A_48 : vector<1024xf32> to vector<1024x1xf32>
    %convert_element_type3A = arith.fptosi %broadcast_in_dim3A_49 : vector<1024x1xf32> to vector<1024x1xi32>
    %swap3A_50 = arith.constant 0 : index
    %swap3A_51 = arith.constant 0 : index
    %swap3A_52 = vector.load %arg4[%swap3A_50, %swap3A_51] : memref<1024x1xi32, #tpu.memory_space<vmem>>, vector<1024x1xi32>
    tpu.vector_store %arg4[%swap3A_50, %swap3A_51], %convert_element_type3A {strides = array<i32>} : memref<1024x1xi32, #tpu.memory_space<vmem>>, vector<1024x1xi32>,
    %eq3A_53 = vector.broadcast %convert_element_type3A : vector<1024x1xi32> to vector<1024x1024xi32>
    %eq3A_54 = vector.broadcast %iota3A_22 : vector<1x1024xi32> to vector<1024x1024xi32>
    %eq3A_55 = arith.cmpi eq, %eq3A_53, %eq3A_54 : vector<1024x1024xi32>
    %jit3A_56 = arith.constant 0 : i32
    %broadcast_in_dim3A_57 = vector.shape_cast %iota3A_21 : vector<1024x1xi32> to vector<1024x1xi32>
    %broadcast_in_dim3A_58 = vector.broadcast %broadcast_in_dim3A_57 : vector<1024x1xi32> to vector<1024x1024xi32>
    %broadcast_in_dim3A_59 = vector.broadcast %jit3A_56 : i32 to vector<1024x1024xi32>
    %select_n3A_60 = arith.select %eq3A_55, %broadcast_in_dim3A_58, %broadcast_in_dim3A_59 : vector<1024x1024xi1>, vector<1024x1024xi32>
    %reduce_sum3A_61 = arith.constant dense<0> : vector<1024xi32>
    %reduce_sum3A_62 = vector.multi_reduction <add>, %select_n3A_60, %reduce_sum3A_61 [0] : vector<1024x1024xi32> to vector<1024xi32>
    %broadcast_in_dim3A_63 = vector.shape_cast %reduce_sum3A_62 : vector<1024xi32> to vector<1x1024xi32>
    %swap3A_64 = arith.constant 0 : index
    %swap3A_65 = arith.constant 0 : index
    %swap3A_66 = vector.load %arg5[%swap3A_64, %swap3A_65] : memref<1x1024xi32, #tpu.memory_space<vmem>>, vector<1x1024xi32>
    tpu.vector_store %arg5[%swap3A_64, %swap3A_65], %broadcast_in_dim3A_63 {strides = array<i32>} : memref<1x1024xi32, #tpu.memory_space<vmem>>, vector<1x1024xi32>,
    return
  }
}

module attributes {stable_mosaic.version = 14 : i64} {
  func.func @_meta_body(%arg0: memref<1024x1xi32, #tpu.memory_space<vmem>>, %arg1: memref<1x1024xi32, #tpu.memory_space<vmem>>, %arg2: memref<1x24xi32, #tpu.memory_space<vmem>>, %arg3: memref<1x24xi32, #tpu.memory_space<vmem>>, %arg4: memref<1x24xi32, #tpu.memory_space<vmem>>, %arg5: memref<1x24xi32, #tpu.memory_space<vmem>>, %arg6: memref<16x1xi32, #tpu.memory_space<vmem>>, %arg7: memref<16x1xi32, #tpu.memory_space<vmem>>) attributes {dimension_semantics = [], scalar_prefetch = 0 : i64, scratch_operands = 0 : i64, tpu.core_type = #tpu.core_type<tc>} {
    %get3A = arith.constant 0 : index
    %get3A_0 = arith.constant 0 : index
    %get3A_1 = vector.load %arg0[%get3A, %get3A_0] : memref<1024x1xi32, #tpu.memory_space<vmem>>, vector<1024x1xi32>
    %get3A_2 = arith.constant 0 : index
    %get3A_3 = arith.constant 0 : index
    %get3A_4 = vector.load %arg1[%get3A_2, %get3A_3] : memref<1x1024xi32, #tpu.memory_space<vmem>>, vector<1x1024xi32>
    %iota3A = tpu.iota {dimensions = array<i32: 1>} : vector<1x16xi32>
    %iota3A_5 = tpu.iota {dimensions = array<i32: 0>} : vector<16x1xi32>
    %eq3A = vector.broadcast %get3A_1 : vector<1024x1xi32> to vector<1024x16xi32>
    %eq3A_6 = vector.broadcast %iota3A : vector<1x16xi32> to vector<1024x16xi32>
    %eq3A_7 = arith.cmpi eq, %eq3A, %eq3A_6 : vector<1024x16xi32>
    %jit3A = arith.constant 1.000000e+00 : f32
    %jit3A_8 = arith.constant 0.000000e+00 : f32
    %broadcast_in_dim3A = vector.broadcast %jit3A : f32 to vector<1024x16xf32>
    %broadcast_in_dim3A_9 = vector.broadcast %jit3A_8 : f32 to vector<1024x16xf32>
    %select_n3A = arith.select %eq3A_7, %broadcast_in_dim3A, %broadcast_in_dim3A_9 : vector<1024x16xi1>, vector<1024x16xf32>
    %eq3A_10 = vector.broadcast %get3A_4 : vector<1x1024xi32> to vector<16x1024xi32>
    %eq3A_11 = vector.broadcast %iota3A_5 : vector<16x1xi32> to vector<16x1024xi32>
    %eq3A_12 = arith.cmpi eq, %eq3A_10, %eq3A_11 : vector<16x1024xi32>
    %jit3A_13 = arith.constant 1.000000e+00 : f32
    %jit3A_14 = arith.constant 0.000000e+00 : f32
    %broadcast_in_dim3A_15 = vector.broadcast %jit3A_13 : f32 to vector<16x1024xf32>
    %broadcast_in_dim3A_16 = vector.broadcast %jit3A_14 : f32 to vector<16x1024xf32>
    %select_n3A_17 = arith.select %eq3A_12, %broadcast_in_dim3A_15, %broadcast_in_dim3A_16 : vector<16x1024xi1>, vector<16x1024xf32>
    %reduce_sum3A = arith.constant dense<0.000000e+00> : vector<16xf32>
    %reduce_sum3A_18 = vector.multi_reduction <add>, %select_n3A, %reduce_sum3A [0] : vector<1024x16xf32> to vector<16xf32>
    %broadcast_in_dim3A_19 = vector.shape_cast %reduce_sum3A_18 : vector<16xf32> to vector<1x16xf32>
    %reduce_sum3A_20 = arith.constant dense<0.000000e+00> : vector<16xf32>
    %reduce_sum3A_21 = vector.multi_reduction <add>, %select_n3A_17, %reduce_sum3A_20 [1] : vector<16x1024xf32> to vector<16xf32>
    %broadcast_in_dim3A_22 = vector.shape_cast %reduce_sum3A_21 : vector<16xf32> to vector<16x1xf32>
    %lt3A = vector.broadcast %iota3A_5 : vector<16x1xi32> to vector<16x16xi32>
    %lt3A_23 = vector.broadcast %iota3A : vector<1x16xi32> to vector<16x16xi32>
    %lt3A_24 = arith.cmpi slt, %lt3A, %lt3A_23 : vector<16x16xi32>
    %jit3A_25 = arith.constant 1.000000e+00 : f32
    %jit3A_26 = arith.constant 0.000000e+00 : f32
    %broadcast_in_dim3A_27 = vector.broadcast %jit3A_25 : f32 to vector<16x16xf32>
    %broadcast_in_dim3A_28 = vector.broadcast %jit3A_26 : f32 to vector<16x16xf32>
    %select_n3A_29 = arith.select %lt3A_24, %broadcast_in_dim3A_27, %broadcast_in_dim3A_28 : vector<16x16xi1>, vector<16x16xf32>
    %lt3A_30 = vector.broadcast %iota3A : vector<1x16xi32> to vector<16x16xi32>
    %lt3A_31 = vector.broadcast %iota3A_5 : vector<16x1xi32> to vector<16x16xi32>
    %lt3A_32 = arith.cmpi slt, %lt3A_30, %lt3A_31 : vector<16x16xi32>
    %jit3A_33 = arith.constant 1.000000e+00 : f32
    %jit3A_34 = arith.constant 0.000000e+00 : f32
    %broadcast_in_dim3A_35 = vector.broadcast %jit3A_33 : f32 to vector<16x16xf32>
    %broadcast_in_dim3A_36 = vector.broadcast %jit3A_34 : f32 to vector<16x16xf32>
    %select_n3A_37 = arith.select %lt3A_32, %broadcast_in_dim3A_35, %broadcast_in_dim3A_36 : vector<16x16xi1>, vector<16x16xf32>
    %dot_general3A = arith.constant dense<0.000000e+00> : vector<1x16xf32>
    %dot_general3A_38 = tpu.matmul %broadcast_in_dim3A_19, %select_n3A_29, %dot_general3A {dimension_numbers = #tpu.dot_dimension_numbers<[1], [0], [0], [1], [0, 0, 1, 1], [], []>, transpose_lhs_hint = false} : vector<1x16xf32>, vector<16x16xf32>, vector<1x16xf32> -> vector<1x16xf32>
    %convert_element_type3A = arith.fptosi %dot_general3A_38 : vector<1x16xf32> to vector<1x16xi32>
    %dot_general3A_39 = arith.constant dense<0.000000e+00> : vector<16x1xf32>
    %dot_general3A_40 = tpu.matmul %select_n3A_37, %broadcast_in_dim3A_22, %dot_general3A_39 {dimension_numbers = #tpu.dot_dimension_numbers<[1], [0], [0], [1], [0, 0, 1, 1], [], []>, transpose_lhs_hint = false} : vector<16x16xf32>, vector<16x1xf32>, vector<16x1xf32> -> vector<16x1xf32>
    %convert_element_type3A_41 = arith.fptosi %dot_general3A_40 : vector<16x1xf32> to vector<16x1xi32>
    %convert_element_type3A_42 = arith.fptosi %broadcast_in_dim3A_19 : vector<1x16xf32> to vector<1x16xi32>
    %convert_element_type3A_43 = arith.fptosi %broadcast_in_dim3A_22 : vector<16x1xf32> to vector<16x1xi32>
    %add3A = arith.addi %convert_element_type3A, %convert_element_type3A_42 : vector<1x16xi32>
    %iota3A_44 = tpu.iota {dimensions = array<i32: 0>} : vector<24x1xi32>
    %iota3A_45 = tpu.iota {dimensions = array<i32: 1>} : vector<1x24xi32>
    %broadcast_in_dim3A_46 = arith.constant 0 : i32
    %broadcast_in_dim3A_47 = vector.broadcast %broadcast_in_dim3A_46 : i32 to vector<8x1xi32>
    %broadcast_in_dim3A_48 = arith.constant 0 : i32
    %broadcast_in_dim3A_49 = vector.broadcast %broadcast_in_dim3A_48 : i32 to vector<1x8xi32>
    %concatenate3A = tpu.concatenate %broadcast_in_dim3A_47, %convert_element_type3A_41 in 0 : vector<8x1xi32>, vector<16x1xi32> -> vector<24x1xi32>
    %concatenate3A_50 = tpu.concatenate %broadcast_in_dim3A_47, %convert_element_type3A_43 in 0 : vector<8x1xi32>, vector<16x1xi32> -> vector<24x1xi32>
    %concatenate3A_51 = tpu.concatenate %broadcast_in_dim3A_49, %convert_element_type3A in 1 : vector<1x8xi32>, vector<1x16xi32> -> vector<1x24xi32>
    %concatenate3A_52 = tpu.concatenate %broadcast_in_dim3A_49, %convert_element_type3A_42 in 1 : vector<1x8xi32>, vector<1x16xi32> -> vector<1x24xi32>
    %lt3A_53 = arith.constant 8 : i32
    %lt3A_54 = vector.broadcast %lt3A_53 : i32 to vector<24x1xi32>
    %lt3A_55 = arith.cmpi slt, %iota3A_44, %lt3A_54 : vector<24x1xi32>
    %lt3A_56 = arith.constant 8 : i32
    %lt3A_57 = vector.broadcast %lt3A_56 : i32 to vector<1x24xi32>
    %lt3A_58 = arith.cmpi slt, %iota3A_45, %lt3A_57 : vector<1x24xi32>
    %not3A = arith.constant dense<true> : vector<24x1xi1>
    %not3A_59 = arith.xori %lt3A_55, %not3A : vector<24x1xi1>
    %gt3A = arith.constant 0 : i32
    %gt3A_60 = vector.broadcast %gt3A : i32 to vector<24x1xi32>
    %gt3A_61 = arith.cmpi sgt, %concatenate3A_50, %gt3A_60 : vector<24x1xi32>
    %and3A = arith.andi %not3A_59, %gt3A_61 : vector<24x1xi1>
    %jit3A_62 = arith.constant 128 : i32
    %eq3A_63 = arith.constant 0 : i32
    %eq3A_64 = arith.cmpi eq, %jit3A_62, %eq3A_63 : i32
    %jit3A_65 = arith.constant 1 : i32
    %select_n3A_66 = arith.select %eq3A_64, %jit3A_65, %jit3A_62 : i32
    %rem3A = vector.broadcast %select_n3A_66 : i32 to vector<24x1xi32>
    %rem3A_67 = arith.remsi %concatenate3A, %rem3A : vector<24x1xi32>
    %ne3A = arith.constant 0 : i32
    %ne3A_68 = vector.broadcast %ne3A : i32 to vector<24x1xi32>
    %ne3A_69 = arith.cmpi ne, %rem3A_67, %ne3A_68 : vector<24x1xi32>
    %lt3A_70 = arith.constant 0 : i32
    %lt3A_71 = vector.broadcast %lt3A_70 : i32 to vector<24x1xi32>
    %lt3A_72 = arith.cmpi slt, %rem3A_67, %lt3A_71 : vector<24x1xi32>
    %lt3A_73 = arith.constant 0 : i32
    %lt3A_74 = arith.cmpi slt, %select_n3A_66, %lt3A_73 : i32
    %ne3A_75 = vector.broadcast %lt3A_74 : i1 to vector<24x1xi1>
    %ne3A_76 = vector.broadcast %ne3A_75 : vector<24x1xi1> to vector<24x1xi1>
    %ne3A_77 = arith.xori %lt3A_72, %ne3A_76 : vector<24x1xi1>
    %and3A_78 = arith.andi %ne3A_77, %ne3A_69 : vector<24x1xi1>
    %add3A_79 = vector.broadcast %select_n3A_66 : i32 to vector<24x1xi32>
    %add3A_80 = arith.addi %rem3A_67, %add3A_79 : vector<24x1xi32>
    %select_n3A_81 = arith.select %and3A_78, %add3A_80, %rem3A_67 : vector<24x1xi1>, vector<24x1xi32>
    %ne3A_82 = arith.constant 0 : i32
    %ne3A_83 = vector.broadcast %ne3A_82 : i32 to vector<24x1xi32>
    %ne3A_84 = arith.cmpi ne, %select_n3A_81, %ne3A_83 : vector<24x1xi32>
    %and3A_85 = arith.andi %and3A, %ne3A_84 : vector<24x1xi1>
    %not3A_86 = arith.constant dense<true> : vector<1x24xi1>
    %not3A_87 = arith.xori %lt3A_58, %not3A_86 : vector<1x24xi1>
    %gt3A_88 = arith.constant 0 : i32
    %gt3A_89 = vector.broadcast %gt3A_88 : i32 to vector<1x24xi32>
    %gt3A_90 = arith.cmpi sgt, %concatenate3A_52, %gt3A_89 : vector<1x24xi32>
    %and3A_91 = arith.andi %not3A_87, %gt3A_90 : vector<1x24xi1>
    %jit3A_92 = arith.constant 128 : i32
    %eq3A_93 = arith.constant 0 : i32
    %eq3A_94 = arith.cmpi eq, %jit3A_92, %eq3A_93 : i32
    %jit3A_95 = arith.constant 1 : i32
    %select_n3A_96 = arith.select %eq3A_94, %jit3A_95, %jit3A_92 : i32
    %rem3A_97 = vector.broadcast %select_n3A_96 : i32 to vector<1x24xi32>
    %rem3A_98 = arith.remsi %concatenate3A_51, %rem3A_97 : vector<1x24xi32>
    %ne3A_99 = arith.constant 0 : i32
    %ne3A_100 = vector.broadcast %ne3A_99 : i32 to vector<1x24xi32>
    %ne3A_101 = arith.cmpi ne, %rem3A_98, %ne3A_100 : vector<1x24xi32>
    %lt3A_102 = arith.constant 0 : i32
    %lt3A_103 = vector.broadcast %lt3A_102 : i32 to vector<1x24xi32>
    %lt3A_104 = arith.cmpi slt, %rem3A_98, %lt3A_103 : vector<1x24xi32>
    %lt3A_105 = arith.constant 0 : i32
    %lt3A_106 = arith.cmpi slt, %select_n3A_96, %lt3A_105 : i32
    %ne3A_107 = vector.broadcast %lt3A_106 : i1 to vector<1x24xi1>
    %ne3A_108 = vector.broadcast %ne3A_107 : vector<1x24xi1> to vector<1x24xi1>
    %ne3A_109 = arith.xori %lt3A_104, %ne3A_108 : vector<1x24xi1>
    %and3A_110 = arith.andi %ne3A_109, %ne3A_101 : vector<1x24xi1>
    %add3A_111 = vector.broadcast %select_n3A_96 : i32 to vector<1x24xi32>
    %add3A_112 = arith.addi %rem3A_98, %add3A_111 : vector<1x24xi32>
    %select_n3A_113 = arith.select %and3A_110, %add3A_112, %rem3A_98 : vector<1x24xi1>, vector<1x24xi32>
    %ne3A_114 = arith.constant 0 : i32
    %ne3A_115 = vector.broadcast %ne3A_114 : i32 to vector<1x24xi32>
    %ne3A_116 = arith.cmpi ne, %select_n3A_113, %ne3A_115 : vector<1x24xi32>
    %and3A_117 = arith.andi %and3A_91, %ne3A_116 : vector<1x24xi1>
    %mul3A = arith.constant 128 : i32
    %mul3A_118 = vector.broadcast %mul3A : i32 to vector<24x1xi32>
    %mul3A_119 = arith.muli %iota3A_44, %mul3A_118 : vector<24x1xi32>
    %add3A_120 = arith.constant 1152 : i32
    %add3A_121 = vector.broadcast %add3A_120 : i32 to vector<24x1xi32>
    %add3A_122 = arith.addi %add3A_121, %iota3A_44 : vector<24x1xi32>
    %select_n3A_123 = arith.select %and3A_85, %concatenate3A, %add3A_122 : vector<24x1xi1>, vector<24x1xi32>
    %select_n3A_124 = arith.select %lt3A_55, %mul3A_119, %select_n3A_123 : vector<24x1xi1>, vector<24x1xi32>
    %mul3A_125 = arith.constant 128 : i32
    %mul3A_126 = vector.broadcast %mul3A_125 : i32 to vector<1x24xi32>
    %mul3A_127 = arith.muli %iota3A_45, %mul3A_126 : vector<1x24xi32>
    %add3A_128 = arith.constant 1152 : i32
    %add3A_129 = vector.broadcast %add3A_128 : i32 to vector<1x24xi32>
    %add3A_130 = arith.addi %add3A_129, %iota3A_45 : vector<1x24xi32>
    %select_n3A_131 = arith.select %and3A_117, %concatenate3A_51, %add3A_130 : vector<1x24xi1>, vector<1x24xi32>
    %select_n3A_132 = arith.select %lt3A_58, %mul3A_127, %select_n3A_131 : vector<1x24xi1>, vector<1x24xi32>
    %lt3A_133 = vector.broadcast %select_n3A_132 : vector<1x24xi32> to vector<24x24xi32>
    %lt3A_134 = vector.broadcast %select_n3A_124 : vector<24x1xi32> to vector<24x24xi32>
    %lt3A_135 = arith.cmpi slt, %lt3A_133, %lt3A_134 : vector<24x24xi32>
    %jit3A_136 = arith.constant 1 : i32
    %jit3A_137 = arith.constant 0 : i32
    %broadcast_in_dim3A_138 = vector.broadcast %jit3A_136 : i32 to vector<24x24xi32>
    %broadcast_in_dim3A_139 = vector.broadcast %jit3A_137 : i32 to vector<24x24xi32>
    %select_n3A_140 = arith.select %lt3A_135, %broadcast_in_dim3A_138, %broadcast_in_dim3A_139 : vector<24x24xi1>, vector<24x24xi32>
    %reduce_sum3A_141 = arith.constant dense<0> : vector<24xi32>
    %reduce_sum3A_142 = vector.multi_reduction <add>, %select_n3A_140, %reduce_sum3A_141 [1] : vector<24x24xi32> to vector<24xi32>
    %broadcast_in_dim3A_143 = vector.shape_cast %reduce_sum3A_142 : vector<24xi32> to vector<24x1xi32>
    %jit3A_144 = arith.constant 128 : i32
    %div3A = vector.broadcast %jit3A_144 : i32 to vector<24x1xi32>
    %div3A_145 = arith.divsi %concatenate3A, %div3A : vector<24x1xi32>
    %sign3A = arith.constant 0 : i32
    %sign3A_146 = vector.broadcast %sign3A : i32 to vector<24x1xi32>
    %sign3A_147 = arith.cmpi sgt, %concatenate3A, %sign3A_146 : vector<24x1xi32>
    %sign3A_148 = arith.extui %sign3A_147 : vector<24x1xi1> to vector<24x1xi32>
    %sign3A_149 = arith.constant 0 : i32
    %sign3A_150 = vector.broadcast %sign3A_149 : i32 to vector<24x1xi32>
    %sign3A_151 = arith.cmpi slt, %concatenate3A, %sign3A_150 : vector<24x1xi32>
    %sign3A_152 = arith.extui %sign3A_151 : vector<24x1xi1> to vector<24x1xi32>
    %sign3A_153 = arith.subi %sign3A_148, %sign3A_152 : vector<24x1xi32>
    %sign3A_154 = arith.constant 0 : i32
    %sign3A_155 = arith.cmpi sgt, %jit3A_144, %sign3A_154 : i32
    %sign3A_156 = arith.extui %sign3A_155 : i1 to i32
    %sign3A_157 = arith.constant 0 : i32
    %sign3A_158 = arith.cmpi slt, %jit3A_144, %sign3A_157 : i32
    %sign3A_159 = arith.extui %sign3A_158 : i1 to i32
    %sign3A_160 = arith.subi %sign3A_156, %sign3A_159 : i32
    %ne3A_161 = vector.broadcast %sign3A_160 : i32 to vector<24x1xi32>
    %ne3A_162 = arith.cmpi ne, %sign3A_153, %ne3A_161 : vector<24x1xi32>
    %rem3A_163 = vector.broadcast %jit3A_144 : i32 to vector<24x1xi32>
    %rem3A_164 = arith.remsi %concatenate3A, %rem3A_163 : vector<24x1xi32>
    %ne3A_165 = arith.constant 0 : i32
    %ne3A_166 = vector.broadcast %ne3A_165 : i32 to vector<24x1xi32>
    %ne3A_167 = arith.cmpi ne, %rem3A_164, %ne3A_166 : vector<24x1xi32>
    %and3A_168 = arith.andi %ne3A_162, %ne3A_167 : vector<24x1xi1>
    %sub3A = arith.constant 1 : i32
    %sub3A_169 = vector.broadcast %sub3A : i32 to vector<24x1xi32>
    %sub3A_170 = arith.subi %div3A_145, %sub3A_169 : vector<24x1xi32>
    %select_n3A_171 = arith.select %and3A_168, %sub3A_170, %div3A_145 : vector<24x1xi1>, vector<24x1xi32>
    %jit3A_172 = arith.constant 7 : i32
    %broadcast_in_dim3A_173 = vector.broadcast %jit3A_172 : i32 to vector<24x1xi32>
    %select_n3A_174 = arith.select %and3A_85, %select_n3A_171, %broadcast_in_dim3A_173 : vector<24x1xi1>, vector<24x1xi32>
    %select_n3A_175 = arith.select %lt3A_55, %iota3A_44, %select_n3A_174 : vector<24x1xi1>, vector<24x1xi32>
    %mul3A_176 = arith.constant 128 : i32
    %mul3A_177 = vector.broadcast %mul3A_176 : i32 to vector<24x1xi32>
    %mul3A_178 = arith.muli %iota3A_44, %mul3A_177 : vector<24x1xi32>
    %le3A = vector.broadcast %add3A : vector<1x16xi32> to vector<24x16xi32>
    %le3A_179 = vector.broadcast %mul3A_178 : vector<24x1xi32> to vector<24x16xi32>
    %le3A_180 = arith.cmpi sle, %le3A, %le3A_179 : vector<24x16xi32>
    %jit3A_181 = arith.constant 1 : i32
    %jit3A_182 = arith.constant 0 : i32
    %broadcast_in_dim3A_183 = vector.broadcast %jit3A_181 : i32 to vector<24x16xi32>
    %broadcast_in_dim3A_184 = vector.broadcast %jit3A_182 : i32 to vector<24x16xi32>
    %select_n3A_185 = arith.select %le3A_180, %broadcast_in_dim3A_183, %broadcast_in_dim3A_184 : vector<24x16xi1>, vector<24x16xi32>
    %reduce_sum3A_186 = arith.constant dense<0> : vector<24xi32>
    %reduce_sum3A_187 = vector.multi_reduction <add>, %select_n3A_185, %reduce_sum3A_186 [1] : vector<24x16xi32> to vector<24xi32>
    %broadcast_in_dim3A_188 = vector.shape_cast %reduce_sum3A_187 : vector<24xi32> to vector<24x1xi32>
    %le3A_189 = arith.constant 1023 : i32
    %le3A_190 = vector.broadcast %le3A_189 : i32 to vector<1x16xi32>
    %le3A_191 = arith.cmpi sle, %add3A, %le3A_190 : vector<1x16xi32>
    %jit3A_192 = arith.constant 1 : i32
    %jit3A_193 = arith.constant 0 : i32
    %broadcast_in_dim3A_194 = vector.broadcast %jit3A_192 : i32 to vector<1x16xi32>
    %broadcast_in_dim3A_195 = vector.broadcast %jit3A_193 : i32 to vector<1x16xi32>
    %select_n3A_196 = arith.select %le3A_191, %broadcast_in_dim3A_194, %broadcast_in_dim3A_195 : vector<1x16xi1>, vector<1x16xi32>
    %reduce_sum3A_197 = arith.constant dense<0> : vector<1xi32>
    %reduce_sum3A_198 = vector.multi_reduction <add>, %select_n3A_196, %reduce_sum3A_197 [1] : vector<1x16xi32> to vector<1xi32>
    %broadcast_in_dim3A_199 = vector.shape_cast %reduce_sum3A_198 : vector<1xi32> to vector<1x1xi32>
    %sub3A_200 = arith.constant 8 : i32
    %sub3A_201 = vector.broadcast %sub3A_200 : i32 to vector<24x1xi32>
    %sub3A_202 = arith.subi %iota3A_44, %sub3A_201 : vector<24x1xi32>
    %broadcast_in_dim3A_203 = vector.shape_cast %broadcast_in_dim3A_199 : vector<1x1xi32> to vector<1x1xi32>
    %broadcast_in_dim3A_204 = vector.broadcast %broadcast_in_dim3A_203 : vector<1x1xi32> to vector<24x1xi32>
    %select_n3A_205 = arith.select %and3A_85, %sub3A_202, %broadcast_in_dim3A_204 : vector<24x1xi1>, vector<24x1xi32>
    %select_n3A_206 = arith.select %lt3A_55, %broadcast_in_dim3A_188, %select_n3A_205 : vector<24x1xi1>, vector<24x1xi32>
    %eq3A_207 = vector.broadcast %broadcast_in_dim3A_143 : vector<24x1xi32> to vector<24x24xi32>
    %eq3A_208 = vector.broadcast %iota3A_45 : vector<1x24xi32> to vector<24x24xi32>
    %eq3A_209 = arith.cmpi eq, %eq3A_207, %eq3A_208 : vector<24x24xi32>
    %jit3A_210 = arith.constant 1 : i32
    %jit3A_211 = arith.constant 0 : i32
    %broadcast_in_dim3A_212 = vector.broadcast %jit3A_210 : i32 to vector<24x24xi32>
    %broadcast_in_dim3A_213 = vector.broadcast %jit3A_211 : i32 to vector<24x24xi32>
    %select_n3A_214 = arith.select %eq3A_209, %broadcast_in_dim3A_212, %broadcast_in_dim3A_213 : vector<24x24xi1>, vector<24x24xi32>
    %mul3A_215 = vector.broadcast %select_n3A_175 : vector<24x1xi32> to vector<24x24xi32>
    %mul3A_216 = arith.muli %select_n3A_214, %mul3A_215 : vector<24x24xi32>
    %reduce_sum3A_217 = arith.constant dense<0> : vector<24xi32>
    %reduce_sum3A_218 = vector.multi_reduction <add>, %mul3A_216, %reduce_sum3A_217 [0] : vector<24x24xi32> to vector<24xi32>
    %broadcast_in_dim3A_219 = vector.shape_cast %reduce_sum3A_218 : vector<24xi32> to vector<1x24xi32>
    %mul3A_220 = vector.broadcast %select_n3A_206 : vector<24x1xi32> to vector<24x24xi32>
    %mul3A_221 = arith.muli %select_n3A_214, %mul3A_220 : vector<24x24xi32>
    %reduce_sum3A_222 = arith.constant dense<0> : vector<24xi32>
    %reduce_sum3A_223 = vector.multi_reduction <add>, %mul3A_221, %reduce_sum3A_222 [0] : vector<24x24xi32> to vector<24xi32>
    %broadcast_in_dim3A_224 = vector.shape_cast %reduce_sum3A_223 : vector<24xi32> to vector<1x24xi32>
    %jit3A_225 = arith.constant 1 : i32
    %jit3A_226 = arith.constant 0 : i32
    %broadcast_in_dim3A_227 = vector.broadcast %jit3A_225 : i32 to vector<24x1xi32>
    %broadcast_in_dim3A_228 = vector.broadcast %jit3A_226 : i32 to vector<24x1xi32>
    %select_n3A_229 = arith.select %and3A_85, %broadcast_in_dim3A_227, %broadcast_in_dim3A_228 : vector<24x1xi1>, vector<24x1xi32>
    %reduce_sum3A_230 = arith.constant dense<0> : vector<1xi32>
    %reduce_sum3A_231 = vector.multi_reduction <add>, %select_n3A_229, %reduce_sum3A_230 [0] : vector<24x1xi32> to vector<1xi32>
    %broadcast_in_dim3A_232 = vector.shape_cast %reduce_sum3A_231 : vector<1xi32> to vector<1x1xi32>
    %add3A_233 = arith.constant 8 : i32
    %add3A_234 = vector.broadcast %add3A_233 : i32 to vector<1x1xi32>
    %add3A_235 = arith.addi %add3A_234, %broadcast_in_dim3A_232 : vector<1x1xi32>
    %lt3A_236 = vector.broadcast %add3A_235 : vector<1x1xi32> to vector<1x24xi32>
    %lt3A_237 = arith.cmpi slt, %iota3A_45, %lt3A_236 : vector<1x24xi32>
    %jit3A_238 = arith.constant 1 : i32
    %jit3A_239 = arith.constant 0 : i32
    %broadcast_in_dim3A_240 = vector.broadcast %jit3A_238 : i32 to vector<1x24xi32>
    %broadcast_in_dim3A_241 = vector.broadcast %jit3A_239 : i32 to vector<1x24xi32>
    %select_n3A_242 = arith.select %lt3A_237, %broadcast_in_dim3A_240, %broadcast_in_dim3A_241 : vector<1x24xi1>, vector<1x24xi32>
    %slice3A = vector.extract_strided_slice %broadcast_in_dim3A_219 {offsets = [0, 1], sizes = [1, 23], strides = [1, 1]} : vector<1x24xi32> to vector<1x23xi32>
    %broadcast_in_dim3A_243 = arith.constant -1 : i32
    %broadcast_in_dim3A_244 = vector.broadcast %broadcast_in_dim3A_243 : i32 to vector<1x1xi32>
    %concatenate3A_245 = tpu.concatenate %slice3A, %broadcast_in_dim3A_244 in 1 : vector<1x23xi32>, vector<1x1xi32> -> vector<1x24xi32>
    %sub3A_246 = arith.constant 1 : i32
    %sub3A_247 = vector.broadcast %sub3A_246 : i32 to vector<1x1xi32>
    %sub3A_248 = arith.subi %add3A_235, %sub3A_247 : vector<1x1xi32>
    %eq3A_249 = vector.broadcast %sub3A_248 : vector<1x1xi32> to vector<1x24xi32>
    %eq3A_250 = arith.cmpi eq, %iota3A_45, %eq3A_249 : vector<1x24xi32>
    %ne3A_251 = arith.cmpi ne, %concatenate3A_245, %broadcast_in_dim3A_219 : vector<1x24xi32>
    %or3A = arith.ori %eq3A_250, %ne3A_251 : vector<1x24xi1>
    %jit3A_252 = arith.constant 1 : i32
    %jit3A_253 = arith.constant 0 : i32
    %broadcast_in_dim3A_254 = vector.broadcast %jit3A_252 : i32 to vector<1x24xi32>
    %broadcast_in_dim3A_255 = vector.broadcast %jit3A_253 : i32 to vector<1x24xi32>
    %select_n3A_256 = arith.select %or3A, %broadcast_in_dim3A_254, %broadcast_in_dim3A_255 : vector<1x24xi1>, vector<1x24xi32>
    %mul3A_257 = arith.muli %select_n3A_242, %select_n3A_256 : vector<1x24xi32>
    %swap3A = arith.constant 0 : index
    %swap3A_258 = arith.constant 0 : index
    %swap3A_259 = vector.load %arg2[%swap3A, %swap3A_258] : memref<1x24xi32, #tpu.memory_space<vmem>>, vector<1x24xi32>
    tpu.vector_store %arg2[%swap3A, %swap3A_258], %broadcast_in_dim3A_219 {strides = array<i32>} : memref<1x24xi32, #tpu.memory_space<vmem>>, vector<1x24xi32>,
    %swap3A_260 = arith.constant 0 : index
    %swap3A_261 = arith.constant 0 : index
    %swap3A_262 = vector.load %arg3[%swap3A_260, %swap3A_261] : memref<1x24xi32, #tpu.memory_space<vmem>>, vector<1x24xi32>
    tpu.vector_store %arg3[%swap3A_260, %swap3A_261], %broadcast_in_dim3A_224 {strides = array<i32>} : memref<1x24xi32, #tpu.memory_space<vmem>>, vector<1x24xi32>,
    %swap3A_263 = arith.constant 0 : index
    %swap3A_264 = arith.constant 0 : index
    %swap3A_265 = vector.load %arg4[%swap3A_263, %swap3A_264] : memref<1x24xi32, #tpu.memory_space<vmem>>, vector<1x24xi32>
    tpu.vector_store %arg4[%swap3A_263, %swap3A_264], %select_n3A_242 {strides = array<i32>} : memref<1x24xi32, #tpu.memory_space<vmem>>, vector<1x24xi32>,
    %swap3A_266 = arith.constant 0 : index
    %swap3A_267 = arith.constant 0 : index
    %swap3A_268 = vector.load %arg5[%swap3A_266, %swap3A_267] : memref<1x24xi32, #tpu.memory_space<vmem>>, vector<1x24xi32>
    tpu.vector_store %arg5[%swap3A_266, %swap3A_267], %mul3A_257 {strides = array<i32>} : memref<1x24xi32, #tpu.memory_space<vmem>>, vector<1x24xi32>,
    %swap3A_269 = arith.constant 0 : index
    %swap3A_270 = arith.constant 0 : index
    %swap3A_271 = vector.load %arg6[%swap3A_269, %swap3A_270] : memref<16x1xi32, #tpu.memory_space<vmem>>, vector<16x1xi32>
    tpu.vector_store %arg6[%swap3A_269, %swap3A_270], %convert_element_type3A_41 {strides = array<i32>} : memref<16x1xi32, #tpu.memory_space<vmem>>, vector<16x1xi32>,
    %swap3A_272 = arith.constant 0 : index
    %swap3A_273 = arith.constant 0 : index
    %swap3A_274 = vector.load %arg7[%swap3A_272, %swap3A_273] : memref<16x1xi32, #tpu.memory_space<vmem>>, vector<16x1xi32>
    tpu.vector_store %arg7[%swap3A_272, %swap3A_273], %convert_element_type3A_43 {strides = array<i32>} : memref<16x1xi32, #tpu.memory_space<vmem>>, vector<16x1xi32>,
    return
  }
}

module attributes {stable_mosaic.version = 14 : i64} {
  func.func @_group_body(%arg0: i32, %arg1: memref<1x24xi32, #tpu.memory_space<smem>>, %arg2: memref<1x24xi32, #tpu.memory_space<smem>>, %arg3: memref<1x24xi32, #tpu.memory_space<smem>>, %arg4: memref<16x1xi32, #tpu.memory_space<smem>>, %arg5: memref<16x1xi32, #tpu.memory_space<smem>>, %arg6: memref<1x24xi32, #tpu.memory_space<smem>>, %arg7: memref<128x768xf32, #tpu.memory_space<vmem>>, %arg8: memref<1x768x256xf32, #tpu.memory_space<vmem>>, %arg9: memref<1x768x256xf32, #tpu.memory_space<vmem>>, %arg10: memref<1x1x512xf32, #tpu.memory_space<vmem>>, %arg11: memref<1x1x512xf32, #tpu.memory_space<vmem>>, %arg12: memref<1x1x512xf32, #tpu.memory_space<vmem>>, %arg13: memref<128x512xf32, #tpu.memory_space<vmem>>) attributes {dimension_semantics = [#tpu.dimension_semantics<arbitrary>], iteration_bounds = array<i64: 24>, scalar_prefetch = 6 : i64, scratch_operands = 0 : i64, tpu.core_type = #tpu.core_type<tc>, window_params = [{transform_indices = @transform_0, window_bounds = array<i64: 128, 768>}, {transform_indices = @transform_1, window_bounds = array<i64: 1, 768, 256>}, {transform_indices = @transform_2, window_bounds = array<i64: 1, 768, 256>}, {transform_indices = @transform_3, window_bounds = array<i64: 1, 1, 512>}, {transform_indices = @transform_4, window_bounds = array<i64: 1, 1, 512>}, {transform_indices = @transform_5, window_bounds = array<i64: 1, 1, 512>}, {transform_indices = @transform_6, window_bounds = array<i64: 128, 512>}]} {
    %get3A = arith.constant 0 : index
    %get3A_0 = arith.index_cast %arg0 : i32 to index
    %get3A_1 = memref.load %arg2[%get3A, %get3A_0] : memref<1x24xi32, #tpu.memory_space<smem>>
    %get3A_2 = arith.constant 0 : index
    %get3A_3 = arith.index_cast %arg0 : i32 to index
    %get3A_4 = memref.load %arg1[%get3A_2, %get3A_3] : memref<1x24xi32, #tpu.memory_space<smem>>
    %get3A_5 = arith.index_cast %get3A_1 : i32 to index
    %get3A_6 = arith.constant 0 : index
    %get3A_7 = memref.load %arg4[%get3A_5, %get3A_6] : memref<16x1xi32, #tpu.memory_space<smem>>
    %get3A_8 = arith.index_cast %get3A_1 : i32 to index
    %get3A_9 = arith.constant 0 : index
    %get3A_10 = memref.load %arg5[%get3A_8, %get3A_9] : memref<16x1xi32, #tpu.memory_space<smem>>
    %mul3A = arith.constant 128 : i32
    %mul3A_11 = arith.muli %get3A_4, %mul3A : i32
    %iota3A = tpu.iota {dimensions = array<i32: 0>} : vector<128x1xi32>
    %add3A = vector.broadcast %mul3A_11 : i32 to vector<128x1xi32>
    %add3A_12 = arith.addi %add3A, %iota3A : vector<128x1xi32>
    %ge3A = vector.broadcast %get3A_7 : i32 to vector<128x1xi32>
    %ge3A_13 = arith.cmpi sge, %add3A_12, %ge3A : vector<128x1xi32>
    %add3A_14 = arith.addi %get3A_7, %get3A_10 : i32
    %lt3A = vector.broadcast %add3A_14 : i32 to vector<128x1xi32>
    %lt3A_15 = arith.cmpi slt, %add3A_12, %lt3A : vector<128x1xi32>
    %and3A = arith.andi %ge3A_13, %lt3A_15 : vector<128x1xi1>
    %get3A_16 = arith.constant 0 : index
    %get3A_17 = arith.index_cast %arg0 : i32 to index
    %get3A_18 = memref.load %arg3[%get3A_16, %get3A_17] : memref<1x24xi32, #tpu.memory_space<smem>>
    %eq3A = arith.constant 1 : i32
    %eq3A_19 = arith.cmpi eq, %get3A_18, %eq3A : i32
    %convert_element_type3A = arith.extui %eq3A_19 : i1 to i32
    %cond3A = arith.constant 0 : i32
    %cond3A_20 = arith.cmpi ne, %convert_element_type3A, %cond3A : i32
    scf.if %cond3A_20 {
      %get3A_29 = arith.constant 0 : index
      %get3A_30 = arith.constant 0 : index
      %get3A_31 = vector.load %arg7[%get3A_29, %get3A_30] : memref<128x768xf32, #tpu.memory_space<vmem>>, vector<128x768xf32>
      %convert_element_type3A_32 = arith.truncf %get3A_31 : vector<128x768xf32> to vector<128x768xbf16>
      %get3A_33 = arith.constant 0 : index
      %get3A_34 = arith.constant 0 : index
      %get3A_35 = arith.constant 0 : index
      %get3A_36 = vector.load %arg8[%get3A_33, %get3A_34, %get3A_35] : memref<1x768x256xf32, #tpu.memory_space<vmem>>, vector<1x768x256xf32>
      %get3A_37 = vector.shape_cast %get3A_36 : vector<1x768x256xf32> to vector<768x256xf32>
      %convert_element_type3A_38 = arith.truncf %get3A_37 : vector<768x256xf32> to vector<768x256xbf16>
      %dot_general3A = arith.constant dense<0.000000e+00> : vector<128x256xf32>
      %dot_general3A_39 = tpu.matmul %convert_element_type3A_32, %convert_element_type3A_38, %dot_general3A {dimension_numbers = #tpu.dot_dimension_numbers<[1], [0], [0], [1], [0, 0, 1, 1], [], []>, transpose_lhs_hint = false} : vector<128x768xbf16>, vector<768x256xbf16>, vector<128x256xf32> -> vector<128x256xf32>
      %get3A_40 = arith.constant 0 : index
      %get3A_41 = arith.constant 0 : index
      %get3A_42 = arith.constant 0 : index
      %get3A_43 = vector.load %arg10[%get3A_40, %get3A_41, %get3A_42] : memref<1x1x512xf32, #tpu.memory_space<vmem>>, vector<1x1x512xf32>
      %get3A_44 = vector.shape_cast %get3A_43 : vector<1x1x512xf32> to vector<1x512xf32>
      %slice3A = vector.extract_strided_slice %get3A_44 {offsets = [0, 0], sizes = [1, 256], strides = [1, 1]} : vector<1x512xf32> to vector<1x256xf32>
      %add3A_45 = vector.broadcast %slice3A : vector<1x256xf32> to vector<128x256xf32>
      %add3A_46 = arith.addf %dot_general3A_39, %add3A_45 : vector<128x256xf32>
      %gt3A = arith.constant 0.000000e+00 : f32
      %gt3A_47 = vector.broadcast %gt3A : f32 to vector<128x256xf32>
      %gt3A_48 = arith.cmpf ogt, %add3A_46, %gt3A_47 : vector<128x256xf32>
      %get3A_49 = arith.constant 0 : index
      %get3A_50 = arith.constant 0 : index
      %get3A_51 = arith.constant 0 : index
      %get3A_52 = vector.load %arg11[%get3A_49, %get3A_50, %get3A_51] : memref<1x1x512xf32, #tpu.memory_space<vmem>>, vector<1x1x512xf32>
      %get3A_53 = vector.shape_cast %get3A_52 : vector<1x1x512xf32> to vector<1x512xf32>
      %slice3A_54 = vector.extract_strided_slice %get3A_53 {offsets = [0, 0], sizes = [1, 256], strides = [1, 1]} : vector<1x512xf32> to vector<1x256xf32>
      %mul3A_55 = vector.broadcast %slice3A_54 : vector<1x256xf32> to vector<128x256xf32>
      %mul3A_56 = arith.mulf %add3A_46, %mul3A_55 : vector<128x256xf32>
      %select_n3A = arith.select %gt3A_48, %add3A_46, %mul3A_56 : vector<128x256xi1>, vector<128x256xf32>
      %get3A_57 = arith.constant 0 : index
      %get3A_58 = arith.constant 0 : index
      %get3A_59 = arith.constant 0 : index
      %get3A_60 = vector.load %arg12[%get3A_57, %get3A_58, %get3A_59] : memref<1x1x512xf32, #tpu.memory_space<vmem>>, vector<1x1x512xf32>
      %get3A_61 = vector.shape_cast %get3A_60 : vector<1x1x512xf32> to vector<1x512xf32>
      %slice3A_62 = vector.extract_strided_slice %get3A_61 {offsets = [0, 0], sizes = [1, 256], strides = [1, 1]} : vector<1x512xf32> to vector<1x256xf32>
      %mul3A_63 = vector.broadcast %slice3A_62 : vector<1x256xf32> to vector<128x256xf32>
      %mul3A_64 = arith.mulf %select_n3A, %mul3A_63 : vector<128x256xf32>
      %get3A_65 = arith.constant 0 : index
      %get3A_66 = arith.constant 0 : index
      %get3A_67 = vector.load %arg13[%get3A_65, %get3A_66] : memref<128x512xf32, #tpu.memory_space<vmem>>, vector<128x256xf32>
      %broadcast_in_dim3A = vector.shape_cast %and3A : vector<128x1xi1> to vector<128x1xi1>
      %broadcast_in_dim3A_68 = vector.broadcast %broadcast_in_dim3A : vector<128x1xi1> to vector<128x256xi1>
      %select_n3A_69 = arith.select %broadcast_in_dim3A_68, %mul3A_64, %get3A_67 : vector<128x256xi1>, vector<128x256xf32>
      %swap3A = arith.constant 0 : index
      %swap3A_70 = arith.constant 0 : index
      %swap3A_71 = vector.load %arg13[%swap3A, %swap3A_70] : memref<128x512xf32, #tpu.memory_space<vmem>>, vector<128x256xf32>
      tpu.vector_store %arg13[%swap3A, %swap3A_70], %select_n3A_69 {strides = array<i32>} : memref<128x512xf32, #tpu.memory_space<vmem>>, vector<128x256xf32>,
      %get3A_72 = arith.constant 0 : index
      %get3A_73 = arith.constant 0 : index
      %get3A_74 = arith.constant 0 : index
      %get3A_75 = vector.load %arg9[%get3A_72, %get3A_73, %get3A_74] : memref<1x768x256xf32, #tpu.memory_space<vmem>>, vector<1x768x256xf32>
      %get3A_76 = vector.shape_cast %get3A_75 : vector<1x768x256xf32> to vector<768x256xf32>
      %convert_element_type3A_77 = arith.truncf %get3A_76 : vector<768x256xf32> to vector<768x256xbf16>
      %dot_general3A_78 = arith.constant dense<0.000000e+00> : vector<128x256xf32>
      %dot_general3A_79 = tpu.matmul %convert_element_type3A_32, %convert_element_type3A_77, %dot_general3A_78 {dimension_numbers = #tpu.dot_dimension_numbers<[1], [0], [0], [1], [0, 0, 1, 1], [], []>, transpose_lhs_hint = false} : vector<128x768xbf16>, vector<768x256xbf16>, vector<128x256xf32> -> vector<128x256xf32>
      %get3A_80 = arith.constant 0 : index
      %get3A_81 = arith.constant 0 : index
      %get3A_82 = arith.constant 0 : index
      %get3A_83 = vector.load %arg10[%get3A_80, %get3A_81, %get3A_82] : memref<1x1x512xf32, #tpu.memory_space<vmem>>, vector<1x1x512xf32>
      %get3A_84 = vector.shape_cast %get3A_83 : vector<1x1x512xf32> to vector<1x512xf32>
      %slice3A_85 = vector.extract_strided_slice %get3A_84 {offsets = [0, 256], sizes = [1, 256], strides = [1, 1]} : vector<1x512xf32> to vector<1x256xf32>
      %add3A_86 = vector.broadcast %slice3A_85 : vector<1x256xf32> to vector<128x256xf32>
      %add3A_87 = arith.addf %dot_general3A_79, %add3A_86 : vector<128x256xf32>
      %gt3A_88 = arith.constant 0.000000e+00 : f32
      %gt3A_89 = vector.broadcast %gt3A_88 : f32 to vector<128x256xf32>
      %gt3A_90 = arith.cmpf ogt, %add3A_87, %gt3A_89 : vector<128x256xf32>
      %get3A_91 = arith.constant 0 : index
      %get3A_92 = arith.constant 0 : index
      %get3A_93 = arith.constant 0 : index
      %get3A_94 = vector.load %arg11[%get3A_91, %get3A_92, %get3A_93] : memref<1x1x512xf32, #tpu.memory_space<vmem>>, vector<1x1x512xf32>
      %get3A_95 = vector.shape_cast %get3A_94 : vector<1x1x512xf32> to vector<1x512xf32>
      %slice3A_96 = vector.extract_strided_slice %get3A_95 {offsets = [0, 256], sizes = [1, 256], strides = [1, 1]} : vector<1x512xf32> to vector<1x256xf32>
      %mul3A_97 = vector.broadcast %slice3A_96 : vector<1x256xf32> to vector<128x256xf32>
      %mul3A_98 = arith.mulf %add3A_87, %mul3A_97 : vector<128x256xf32>
      %select_n3A_99 = arith.select %gt3A_90, %add3A_87, %mul3A_98 : vector<128x256xi1>, vector<128x256xf32>
      %get3A_100 = arith.constant 0 : index
      %get3A_101 = arith.constant 0 : index
      %get3A_102 = arith.constant 0 : index
      %get3A_103 = vector.load %arg12[%get3A_100, %get3A_101, %get3A_102] : memref<1x1x512xf32, #tpu.memory_space<vmem>>, vector<1x1x512xf32>
      %get3A_104 = vector.shape_cast %get3A_103 : vector<1x1x512xf32> to vector<1x512xf32>
      %slice3A_105 = vector.extract_strided_slice %get3A_104 {offsets = [0, 256], sizes = [1, 256], strides = [1, 1]} : vector<1x512xf32> to vector<1x256xf32>
      %mul3A_106 = vector.broadcast %slice3A_105 : vector<1x256xf32> to vector<128x256xf32>
      %mul3A_107 = arith.mulf %select_n3A_99, %mul3A_106 : vector<128x256xf32>
      %get3A_108 = arith.constant 0 : index
      %get3A_109 = arith.constant 256 : index
      %get3A_110 = vector.load %arg13[%get3A_108, %get3A_109] : memref<128x512xf32, #tpu.memory_space<vmem>>, vector<128x256xf32>
      %broadcast_in_dim3A_111 = vector.shape_cast %and3A : vector<128x1xi1> to vector<128x1xi1>
      %broadcast_in_dim3A_112 = vector.broadcast %broadcast_in_dim3A_111 : vector<128x1xi1> to vector<128x256xi1>
      %select_n3A_113 = arith.select %broadcast_in_dim3A_112, %mul3A_107, %get3A_110 : vector<128x256xi1>, vector<128x256xf32>
      %swap3A_114 = arith.constant 0 : index
      %swap3A_115 = arith.constant 256 : index
      %swap3A_116 = vector.load %arg13[%swap3A_114, %swap3A_115] : memref<128x512xf32, #tpu.memory_space<vmem>>, vector<128x256xf32>
      tpu.vector_store %arg13[%swap3A_114, %swap3A_115], %select_n3A_113 {strides = array<i32>} : memref<128x512xf32, #tpu.memory_space<vmem>>, vector<128x256xf32>,
    } else {
    }
    %get3A_21 = arith.constant 0 : index
    %get3A_22 = arith.index_cast %arg0 : i32 to index
    %get3A_23 = memref.load %arg6[%get3A_21, %get3A_22] : memref<1x24xi32, #tpu.memory_space<smem>>
    %eq3A_24 = arith.constant 1 : i32
    %eq3A_25 = arith.cmpi eq, %get3A_23, %eq3A_24 : i32
    %convert_element_type3A_26 = arith.extui %eq3A_25 : i1 to i32
    %cond3A_27 = arith.constant 0 : i32
    %cond3A_28 = arith.cmpi ne, %convert_element_type3A_26, %cond3A_27 : i32
    scf.if %cond3A_28 {
      %get3A_29 = arith.constant 0 : index
      %get3A_30 = arith.constant 0 : index
      %get3A_31 = vector.load %arg13[%get3A_29, %get3A_30] : memref<128x512xf32, #tpu.memory_space<vmem>>, vector<128x512xf32>
      %reduce_max3A = arith.constant dense<0xFF800000> : vector<128xf32>
      %reduce_max3A_32 = vector.multi_reduction <maximumf>, %get3A_31, %reduce_max3A [1] : vector<128x512xf32> to vector<128xf32>
      %broadcast_in_dim3A = vector.shape_cast %reduce_max3A_32 : vector<128xf32> to vector<128x1xf32>
      %sub3A = vector.broadcast %broadcast_in_dim3A : vector<128x1xf32> to vector<128x512xf32>
      %sub3A_33 = arith.subf %get3A_31, %sub3A : vector<128x512xf32>
      %exp3A = math.exp %sub3A_33 : vector<128x512xf32>
      %reduce_sum3A = arith.constant dense<0.000000e+00> : vector<128xf32>
      %reduce_sum3A_34 = vector.multi_reduction <add>, %exp3A, %reduce_sum3A [1] : vector<128x512xf32> to vector<128xf32>
      %broadcast_in_dim3A_35 = vector.shape_cast %reduce_sum3A_34 : vector<128xf32> to vector<128x1xf32>
      %div3A = vector.broadcast %broadcast_in_dim3A_35 : vector<128x1xf32> to vector<128x512xf32>
      %div3A_36 = arith.divf %exp3A, %div3A : vector<128x512xf32>
      %swap3A = arith.constant 0 : index
      %swap3A_37 = arith.constant 0 : index
      %swap3A_38 = vector.load %arg13[%swap3A, %swap3A_37] : memref<128x512xf32, #tpu.memory_space<vmem>>, vector<128x512xf32>
      tpu.vector_store %arg13[%swap3A, %swap3A_37], %div3A_36 {strides = array<i32>} : memref<128x512xf32, #tpu.memory_space<vmem>>, vector<128x512xf32>,
    } else {
    }
    return
  }
  func.func @transform_0(%arg0: i32, %arg1: memref<1x24xi32, #tpu.memory_space<smem>>, %arg2: memref<1x24xi32, #tpu.memory_space<smem>>, %arg3: memref<1x24xi32, #tpu.memory_space<smem>>, %arg4: memref<16x1xi32, #tpu.memory_space<smem>>, %arg5: memref<16x1xi32, #tpu.memory_space<smem>>, %arg6: memref<1x24xi32, #tpu.memory_space<smem>>) -> (i32, i32) {
    %get3A = arith.constant 0 : index
    %get3A_0 = arith.index_cast %arg0 : i32 to index
    %get3A_1 = memref.load %arg1[%get3A, %get3A_0] : memref<1x24xi32, #tpu.memory_space<smem>>
    %c0_i32 = arith.constant 0 : i32
    %c0_i32_2 = arith.constant 0 : i32
    return %get3A_1, %c0_i32 : i32, i32
  }
  func.func @transform_1(%arg0: i32, %arg1: memref<1x24xi32, #tpu.memory_space<smem>>, %arg2: memref<1x24xi32, #tpu.memory_space<smem>>, %arg3: memref<1x24xi32, #tpu.memory_space<smem>>, %arg4: memref<16x1xi32, #tpu.memory_space<smem>>, %arg5: memref<16x1xi32, #tpu.memory_space<smem>>, %arg6: memref<1x24xi32, #tpu.memory_space<smem>>) -> (i32, i32, i32) {
    %get3A = arith.constant 0 : index
    %get3A_0 = arith.index_cast %arg0 : i32 to index
    %get3A_1 = memref.load %arg2[%get3A, %get3A_0] : memref<1x24xi32, #tpu.memory_space<smem>>
    %c0_i32 = arith.constant 0 : i32
    %c0_i32_2 = arith.constant 0 : i32
    %c0_i32_3 = arith.constant 0 : i32
    return %get3A_1, %c0_i32, %c0_i32_2 : i32, i32, i32
  }
  func.func @transform_2(%arg0: i32, %arg1: memref<1x24xi32, #tpu.memory_space<smem>>, %arg2: memref<1x24xi32, #tpu.memory_space<smem>>, %arg3: memref<1x24xi32, #tpu.memory_space<smem>>, %arg4: memref<16x1xi32, #tpu.memory_space<smem>>, %arg5: memref<16x1xi32, #tpu.memory_space<smem>>, %arg6: memref<1x24xi32, #tpu.memory_space<smem>>) -> (i32, i32, i32) {
    %get3A = arith.constant 0 : index
    %get3A_0 = arith.index_cast %arg0 : i32 to index
    %get3A_1 = memref.load %arg2[%get3A, %get3A_0] : memref<1x24xi32, #tpu.memory_space<smem>>
    %c0_i32 = arith.constant 0 : i32
    %c1_i32 = arith.constant 1 : i32
    %c0_i32_2 = arith.constant 0 : i32
    return %get3A_1, %c0_i32, %c1_i32 : i32, i32, i32
  }
  func.func @transform_3(%arg0: i32, %arg1: memref<1x24xi32, #tpu.memory_space<smem>>, %arg2: memref<1x24xi32, #tpu.memory_space<smem>>, %arg3: memref<1x24xi32, #tpu.memory_space<smem>>, %arg4: memref<16x1xi32, #tpu.memory_space<smem>>, %arg5: memref<16x1xi32, #tpu.memory_space<smem>>, %arg6: memref<1x24xi32, #tpu.memory_space<smem>>) -> (i32, i32, i32) {
    %get3A = arith.constant 0 : index
    %get3A_0 = arith.index_cast %arg0 : i32 to index
    %get3A_1 = memref.load %arg2[%get3A, %get3A_0] : memref<1x24xi32, #tpu.memory_space<smem>>
    %c0_i32 = arith.constant 0 : i32
    %c0_i32_2 = arith.constant 0 : i32
    %c0_i32_3 = arith.constant 0 : i32
    return %get3A_1, %c0_i32, %c0_i32_2 : i32, i32, i32
  }
  func.func @transform_4(%arg0: i32, %arg1: memref<1x24xi32, #tpu.memory_space<smem>>, %arg2: memref<1x24xi32, #tpu.memory_space<smem>>, %arg3: memref<1x24xi32, #tpu.memory_space<smem>>, %arg4: memref<16x1xi32, #tpu.memory_space<smem>>, %arg5: memref<16x1xi32, #tpu.memory_space<smem>>, %arg6: memref<1x24xi32, #tpu.memory_space<smem>>) -> (i32, i32, i32) {
    %get3A = arith.constant 0 : index
    %get3A_0 = arith.index_cast %arg0 : i32 to index
    %get3A_1 = memref.load %arg2[%get3A, %get3A_0] : memref<1x24xi32, #tpu.memory_space<smem>>
    %c0_i32 = arith.constant 0 : i32
    %c0_i32_2 = arith.constant 0 : i32
    %c0_i32_3 = arith.constant 0 : i32
    return %get3A_1, %c0_i32, %c0_i32_2 : i32, i32, i32
  }
  func.func @transform_5(%arg0: i32, %arg1: memref<1x24xi32, #tpu.memory_space<smem>>, %arg2: memref<1x24xi32, #tpu.memory_space<smem>>, %arg3: memref<1x24xi32, #tpu.memory_space<smem>>, %arg4: memref<16x1xi32, #tpu.memory_space<smem>>, %arg5: memref<16x1xi32, #tpu.memory_space<smem>>, %arg6: memref<1x24xi32, #tpu.memory_space<smem>>) -> (i32, i32, i32) {
    %get3A = arith.constant 0 : index
    %get3A_0 = arith.index_cast %arg0 : i32 to index
    %get3A_1 = memref.load %arg2[%get3A, %get3A_0] : memref<1x24xi32, #tpu.memory_space<smem>>
    %c0_i32 = arith.constant 0 : i32
    %c0_i32_2 = arith.constant 0 : i32
    %c0_i32_3 = arith.constant 0 : i32
    return %get3A_1, %c0_i32, %c0_i32_2 : i32, i32, i32
  }
  func.func @transform_6(%arg0: i32, %arg1: memref<1x24xi32, #tpu.memory_space<smem>>, %arg2: memref<1x24xi32, #tpu.memory_space<smem>>, %arg3: memref<1x24xi32, #tpu.memory_space<smem>>, %arg4: memref<16x1xi32, #tpu.memory_space<smem>>, %arg5: memref<16x1xi32, #tpu.memory_space<smem>>, %arg6: memref<1x24xi32, #tpu.memory_space<smem>>) -> (i32, i32) {
    %get3A = arith.constant 0 : index
    %get3A_0 = arith.index_cast %arg0 : i32 to index
    %get3A_1 = memref.load %arg1[%get3A, %get3A_0] : memref<1x24xi32, #tpu.memory_space<smem>>
    %c0_i32 = arith.constant 0 : i32
    %c0_i32_2 = arith.constant 0 : i32
    return %get3A_1, %c0_i32 : i32, i32
  }
}

</mosaic_0001>

<sc_bundles>
// kernel: kernel.10.cloned.1.call-start
scs
__scs_entry_jumppad:
0x0: {  	(pc) =	sbr.rel $0x88, $3  }
0x1: {  	(tag) =	ssettag $0x0;
	lr =	simm.s32 $0x1  }
0x2: {  	[smem:$0x3F9A] =	sst lr;
	_ =	strace $0xD0000000  }
0x3: {  	_ = 	snop  }
0x4: {  	_ = 	snop  }
0x5: {  	_ = 	snop  }
0x6: {  	_ = 	snop  }
0x7: {  	_ = 	snop  }
__scs_overlays_trampoline_lowered:
0x8: {  	[smem:$0x3FA9] =	sst s0  }
0x9: {  	[smem:$0x3FAA] =	sst s1  }
0xa: {  	[smem:$0x3FAB] =	sst s2  }
0xb: {  	[smem:$0x3FAC] =	sst s3  }
0xc: {  	[smem:$0x3FAD] =	sst s4  }
0xd: {  	[smem:$0x3FAE] =	sst s5  }
0xe: {  	[smem:$0x3FAF] =	sst s6  }
0xf: {  	[smem:$0x3FB0] =	sst s7  }
0x10: {  	[smem:$0x3FB1] =	sst s8  }
0x11: {  	[smem:$0x3FB2] =	sst s9;
	s0 =	simm.s32 @!p0 $0x0  }
0x12: {  	s1 =	sld [smem:$0x3F98];
	s0 =	simm.s32 @p0 $0x1  }
0x13: {  	[smem:$0x3FB3] =	sst s0;
	s0 =	simm.s32 @!p1 $0x0  }
0x14: {  	s2 =	sld [smem:$0x3F97];
	s0 =	simm.s32 @p1 $0x1  }
0x15: {  	[smem:$0x3FB4] =	sst s0;
	s0 =	simm.s32 @!p2 $0x0  }
0x16: {  	s3 =	sld [smem:$0x3FDB];
	s0 =	simm.s32 @p2 $0x1  }
0x17: {  	s4 =	simm.s32 $0x1BF5;
	[smem:$0x3FB6] =	sst s0  }
0x18: {  	s0 =	sld [smem:$0x3F99];
	_ =	swait.ge [sflag:s4], $0x0  }
0x19: {  	s7 =	sld [smem:$0x3F9A]  }
0x1a: {  	s8 =	sadd.s32 $0xFFFFE003, lr  }
0x1b: {  	s9 =	sadd.s32 $0xFFFFFEF7, lr;
	s5 =	simm.s32 $0xFFFFFFFF;
	p2 =	slt.u32 s8, $0xFFFFF086  }
0x1c: {  	p1 =	slt.u32 s9, $0xF7A;
	s5 =	simm.s32 @!p2 $0x0  }
0x1d: {  	s5 =	simm.s32 @p1 $0x1;
	p0 =	seq.s32 s7, s2  }
0x1e: {  	s7 =	smul.u32 @!p0 $0xF7A, s2;
	p2 =	seq.s32 @!p0 s5, $0x0  }
0x1f: {  	s9 =	smul.u32 $0xF7A, s1;
	s8 =	simm.s32 @!p0 $0x1BF5;
	p2 =	por !p2, p0  }
0x20: {  	[sflag:s8] =	ssyncset.s32 @!p0 $0xFFFFF086;
	s6 =	sadd.s32 @!p0 s3, s7;
	s7 =	simm.s32 @!p0 $0x108  }
0x21: {  	s3 =	sadd.s32 s3, s9;
	s6 =	sadd.s32 @!p0 $0x88, s6;
	s7 =	simm.s32 @p2 $0x1082  }
0x22: {  	[simem:s7], [sflag:s8] =	dma.local @!p0 [hbm:s6], $0xF7A  }
0x23: {  	s9 =	sor.u32 $0xD0000000, s2;
	s6 =	simm.s32 $0x108;
	_ =	swait.ge @!p0 [sflag:s8], $0x0  }
0x24: {  	s3 =	sadd.s32 $0x88, s3;
	s6 =	simm.s32 @!p1 $0x1082;
	[sflag:s4] =	ssyncset.s32 $0xFFFFF086  }
0x25: {  	[simem:s6], [sflag:s4] =	dma.local [hbm:s3], $0xF7A  }
0x26: {  	[smem:$0x3F9A] =	sst s1;
	(tag) =	ssettag s2;
	_ =	strace s9  }
0x27: {  	s1 =	sld [smem:$0x3FAA]  }
0x28: {  	s2 =	sld [smem:$0x3FAB]  }
0x29: {  	s4 =	sld [smem:$0x3FAD]  }
0x2a: {  	p0 =	seq.s32 s5, $0x0;
	s5 =	sld [smem:$0x3FAE]  }
0x2b: {  	s6 =	sld [smem:$0x3FAF]  }
0x2c: {  	s7 =	sld [smem:$0x3FB0]  }
0x2d: {  	s3 =	simm.s32 $0x108;
	s8 =	sld [smem:$0x3FB1]  }
0x2e: {  	s3 =	simm.s32 @!p0 $0x1082;
	s9 =	sld [smem:$0x3FB2]  }
0x2f: {  	lr =	sadd.s32 s0, s3;
	s0 =	sld [smem:$0x3FA9]  }
0x30: {  	s3 =	sld [smem:$0x3FAC]  }
0x31: {  	[smem:$0x3FB5] =	sst s10  }
0x32: {  	s10 =	sld [smem:$0x3FB3];
	_ =	sdelay $0x3  }
0x33: {  	p0 =	seq.s32 s10, $0x1;
	s10 =	sld [smem:$0x3FB5];
	_ =	sdelay $0x3  }
0x34: {  	[smem:$0x3FB5] =	sst s10  }
0x35: {  	s10 =	sld [smem:$0x3FB4];
	_ =	sdelay $0x3  }
0x36: {  	p1 =	seq.s32 s10, $0x1;
	s10 =	sld [smem:$0x3FB5];
	_ =	sdelay $0x3  }
0x37: {  	[smem:$0x3FB5] =	sst s10  }
0x38: {  	s10 =	sld [smem:$0x3FB6]  }
0x39: {  	_ = 	snop;
	(pc) =	sbr.ind lr, $3  }
0x3a: {  	_ = 	snop  }
0x3b: {  	_ = 	snop  }
0x3c: {  	p2 =	seq.s32 s10, $0x1;
	s10 =	sld [smem:$0x3FB5]  }
0x3d: {  	_ =	shalt  }
0x3e: {  	_ =	shalt  }
0x3f: {  	_ =	shalt  }
0x40: {  	_ =	shalt  }
0x41: {  	_ =	shalt  }
0x42: {  	_ =	shalt  }
0x43: {  	_ =	shalt  }
0x44: {  	_ =	shalt  }
0x45: {  	_ =	shalt  }
0x46: {  	_ =	shalt  }
0x47: {  	_ =	shalt  }
0x48: {  	_ =	shalt  }
0x49: {  	_ =	shalt  }
0x4a: {  	_ =	shalt  }
0x4b: {  	_ =	shalt  }
0x4c: {  	_ =	shalt  }
0x4d: {  	_ =	shalt  }
0x4e: {  	_ =	shalt  }
0x4f: {  	_ =	shalt  }
0x50: {  	_ =	shalt  }
0x51: {  	_ =	shalt  }
0x52: {  	_ =	shalt  }
0x53: {  	_ =	shalt  }
0x54: {  	_ =	shalt  }
0x55: {  	_ =	shalt  }
0x56: {  	_ =	shalt  }
0x57: {  	_ =	shalt  }
0x58: {  	_ =	shalt  }
0x59: {  	_ =	shalt  }
0x5a: {  	_ =	shalt  }
0x5b: {  	_ =	shalt  }
0x5c: {  	_ =	shalt  }
0x5d: {  	_ =	shalt  }
0x5e: {  	_ =	shalt  }
0x5f: {  	_ =	shalt  }
0x60: {  	_ =	shalt  }
0x61: {  	_ =	shalt  }
0x62: {  	_ =	shalt  }
0x63: {  	_ =	shalt  }
0x64: {  	_ =	shalt  }
0x65: {  	_ =	shalt  }
0x66: {  	_ =	shalt  }
0x67: {  	_ =	shalt  }
0x68: {  	_ =	shalt  }
0x69: {  	_ =	shalt  }
0x6a: {  	_ =	shalt  }
0x6b: {  	_ =	shalt  }
0x6c: {  	_ =	shalt  }
0x6d: {  	_ =	shalt  }
0x6e: {  	_ =	shalt  }
0x6f: {  	_ =	shalt  }
0x70: {  	_ =	shalt  }
0x71: {  	_ =	shalt  }
0x72: {  	_ =	shalt  }
0x73: {  	_ =	shalt  }
0x74: {  	_ =	shalt  }
0x75: {  	_ =	shalt  }
0x76: {  	_ =	shalt  }
0x77: {  	_ =	shalt  }
0x78: {  	_ =	shalt  }
0x79: {  	_ =	shalt  }
0x7a: {  	_ =	shalt  }
0x7b: {  	_ =	shalt  }
0x7c: {  	_ =	shalt  }
0x7d: {  	_ =	shalt  }
0x7e: {  	_ =	shalt  }
0x7f: {  	_ =	shalt  }
0x80: {  	_ =	shalt  }
0x81: {  	_ =	shalt  }
0x82: {  	_ =	shalt  }
0x83: {  	_ =	shalt  }
0x84: {  	_ =	shalt  }
0x85: {  	_ =	shalt  }
0x86: {  	_ =	shalt  }
0x87: {  	_ =	shalt  }
.Lfunc_end0:
.L_simem_size_0:
called_computation.1_lowered:
.L_overlay_start_0:
0x88: {  	s2 =	sld [smem:$0x3FD9]  }
0x89: {  	s3 =	sld [smem:$0x3FFE];
	_ =	sdelay $0x1  }
0x8a: {  	s1 =	srdreg.scid  }
0x8b: {  	s0 =	sand.u32 $0x1, s1  }
0x8c: {  	s14 =	sshll.u32 s0, $0xA;
	s2 =	sadd.s32 s3, s2  }
0x8d: {  	s2 =	sadd.s32 s2, s14  }
0x8e: {  	[smem:$0x3FC1] =	sst s2  }
0x8f: {  	_ = 	snop  }
0x90: {  	s2 =	sld [smem:$0x3FD0];
	_ =	sdelay $0x2  }
0x91: {  	s15 =	simm.s32 $0xA;
	s4 =	simm.s32 $0x10  }
0x92: {  	[smem:s4], [sflag:s15] =	dma.local [hbm:s2], $0x1  }
0x93: {  	_ =	swait.eq [sflag:s15], $0x1  }
0x94: {  	[sflag:s15] =	ssyncset.done $0x0  }
0x95: {  	[sflag:s15] =	ssyncadd.s32 $0xFFFFFFFF  }
0x96: {  	s16 =	sld [smem:$0x11];
	(tm) =	ssettm $0x1  }
0x97: {  	s17 =	sld [smem:$0x3FFB];
	_ =	sdelay $0x3  }
0x98: {  	_ =	strace s17  }
0x99: {  	s3 =	sld [smem:$0x3FFC];
	_ =	sdelay $0x3  }
0x9a: {  	_ =	strace s3  }
0x9b: {  	s3 =	sld [smem:$0x3FFD];
	_ =	sdelay $0x3  }
0x9c: {  	_ =	strace s3  }
0x9d: {  	_ =	strace $0x8FFFFFFF  }
0x9e: {  	s18 =	sld [smem:$0x3FDB];
	_ =	sdelay $0x1  }
0x9f: {  	s19 =	simm.s32 $_scs_section_size  }
0xa0: {  	s5 =	simm.s32 $_size__tile_overlayer_lowered;
	s6 =	simm.s32 $_tile_overlayer_lowered  }
0xa1: {  	s22 =	simm.s32 $0x1BFF;
	s21 =	sshll.u32 s6, $0x1;
	s3 =	sadd.s32 s19, s18  }
0xa2: {  	s7 =	simm.s32 $0x0;
	s20 =	sshll.u32 s5, $0x1;
	s5 =	sadd.s32 s21, s3  }
0xa3: {  	[timem:s7], [sflag:s22] =	dma.local [hbm:s5], s20  }
0xa4: {  	_ =	swait.ge [sflag:s22], s20  }
0xa5: {  	s4 =	ssub.s32 $0x0, s20;
	[sflag:s22] =	ssyncset.done $0x0  }
0xa6: {  	[sflag:s22] =	ssyncadd.s32 s4;
	_ =	sdelay $0x1  }
0xa7: {  	s23 =	simm.s32 $0x1B8B  }
0xa8: {  	_ =	swait.ge [sflag:s23], $0x1  }
0xa9: {  	[sflag:s23] =	ssyncset.done $0x0  }
0xaa: {  	s25 =	simm.s32 $0x1B8E;
	s24 =	sld [smem:$0x3FFE];
	[sflag:s23] =	ssyncadd.s32 $0xFFFFFFFF  }
0xab: {  	s26 =	simm.s32 $execute0_lowered;
	[smem:$0x3FD2] =	sst s25  }
0xac: {  	s5 =	sshll.u32 s26, $0x1;
	_ =	strace $0x80000049;
	[dreg:$0x1] =	wrdreg $0xFFFFFFFF  }
0xad: {  	s28 =	simm.s32 $_size_execute0_lowered;
	s3 =	sadd.s32 s3, s5;
	[dreg:$0x0] =	wrdreg $0x0  }
0xae: {  	s5 =	sshll.u32 s28, $0x1;
	[dreg:$0x2] =	wrdreg s3  }
0xaf: {  	[dreg:$0x3] =	wrdreg s5  }
0xb0: {  	[dreg:$0x4] =	wrdreg $0xC0  }
0xb1: {  	_ =	task [dreg:s7], $0x5FFFF  }
0xb2: {  	[dreg:$0x1] =	wrdreg $0xFFFFFFFF  }
0xb3: {  	[dreg:$0x0] =	wrdreg $0x60  }
0xb4: {  	[dreg:$0x2] =	wrdreg s24  }
0xb5: {  	[dreg:$0x3] =	wrdreg s16  }
0xb6: {  	[dreg:$0x4] =	wrdreg $0x9  }
0xb7: {  	_ =	task.clear_ibuf [dreg:s7], $0x5FFFF;
	_ =	strace $0x90000049  }
0xb8: {  	s29 =	simm.s32 $0x9;
	_ =	strace $0x8000004B  }
0xb9: {  	_ =	swait.ge [sflag:s29], $0x1  }
0xba: {  	[sflag:s29] =	ssyncadd.s32 $0xFFFFFFFF  }
0xbb: {  	_ =	strace $0x9000004B  }
0xbc: {  	_ =	sfence  }
0xbd: {  	s30 =	sld [smem:$0x0];
	_ =	sdelay $0x2  }
0xbe: {  	s31 =	sshll.u32 s1, $0xD;
	s1 =	sshrl.u32 s1, $0x2  }
0xbf: {  	s3 =	sand.u32 $0x4000, s31;
	s1 =	sadd.s32 s1, s30  }
0xc0: {  	s0 =	sor.u32 s3, s0;
	s1 =	sshll.u32 s1, $0x11  }
0xc1: {  	s0 =	sor.u32 s1, s0  }
0xc2: {  	s0 =	sadd.s32 $0x8F2B, s0  }
0xc3: {  	[sflag:s0] =	ssyncadd.remote.s32 $0x1  }
0xc4: {  	_ =	sfence.sel $0xFFFF  }
0xc5: {  	[dreg:$0x0] =	wrdreg $0xFFFFFFFF;
	(pc) =	sbr.abs _section_cstart, $3  }
0xc6: {  	[dreg:$0x1] =	wrdreg $0xFFFFFFFF  }
0xc7: {  	_ =	task.clear_ibuf [dreg:s7], $0x2FFFF;
	_ =	strace $0x9FFFFFFF  }
0xc8: {  	(tm) =	ssettm $0x7FFFFFFF  }
0xc9: {  	_ =	shalt  }
tec
execute0_lowered:
.L_overlay_start_1:
0x0: {  	(tag) =	ssettag $0x1  }
0x1: {  	s5 =	rddreg [dreg:$0x0]  }
0x2: {  	s6 =	rddreg [dreg:$0x1];
	s2 =	srdreg.scid  }
0x3: {  	s0 =	rddreg [dreg:$0x2];
	s1 =	stileid.u32;
	s10 =	simm.s32 $0x880  }
0x4: {  	s11 =	simm.s32 $0x1080;
	s12 =	simm.s32 $0x1880;
	s13 =	simm.s32 $0x2080  }
0x5: {  	s14 =	simm.s32 $0x2880;
	s15 =	simm.s32 $0x3080;
	s16 =	simm.s32 $0x3880  }
0x6: {  	s17 =	simm.s32 $0x1;
	s3 =	sand.u32 $0x1, s2;
	s2 =	simm.s32 $0x0  }
0x7: {  	s4 =	sshll.u32 s1, $0x6;
	s7 =	sshll.u32 s3, $0x5;
	[smem:$0x7FF] =	sst s2  }
0x8: {  	s31 =	ssub.s32 $0x2, s3;
	s3 =	sadd.s32 $0x1A00, s5;
	s7 =	sor.u32 s7, s4  }
0x9: {  	_ =	strace $0x8000004A;
	s9 =	sshrl.u32 s31, $0x1;
	s8 =	sshrl.u32 s7, $0x3  }
0xa: {  	v2 =	vlaneseq.u32;
	s9 =	ssub.s32 s31, s9;
	s7 =	sshll.u32 s7, $0x6;
	s8 =	sadd.s32 s8, s5  }
0xb: {  	vm0 =	vmmov $0xffff;
	v1 =	vshrl.u32 v2, $0x3;
	s5 =	sadd.s32 $0x1B00, s5;
	s6 =	sadd.s32 s6, s7;
	s7 =	smax.u32 s9, $0x1  }
0xc: {  	v0 =	vand.u32 $0x7, v2;
	v2 =	vor.u32 $0x8, v2;
	v1 =	vmul.u32 $0x8, v1;
	s9 =	simm.s32 $0x80;
	s4 =	sadd.s32 $0x19A00, s8;
	s8 =	simm.s32 $0x2  }
.LBB2_1:
0xd: {  	[tilespmem:s2], [sflag:$0x2] =	stream.linear.gather [hbm4b:s4+s2], $0x20, $0x38;
	[tilespmem:$0x4080] =	vst v63  }
0xe: {  	_ =	swait.ge [sflag:s8], $0x20  }
0xf: {  	[sflag:s8] =	ssyncset.done $0x0  }
0x10: {  	[sflag:s8] =	ssyncadd.s32 $0xFFFFFFE0  }
0x11: {  	v3 =	vld [tilespmem:$0x0];
	_ =	sdelay $0x4  }
0x12: {  	v4 =	vshll.u32 v3, $0x2  }
0x13: {  	v3 =	vand.u32 $0x7, v3;
	v4 =	vand.u32 $0xFFFFFFE0, v4  }
0x14: {  	v3 =	vor.u32 v3, v4  }
0x15: {  	v4 =	vperm.xlane v3, v0;
	_ =	sdelay $0x1  }
0x16: {  	v4 =	vadd.s32 v1, v4;
	_ =	sdelay $0x1  }
0x17: {  	v3 =	vperm.xlane v3, v2;
	_ =	sdelay $0x1  }
0x18: {  	v3 =	vadd.s32 v1, v3  }
0x19: {  	[tilespmem:s9], [sflag:$0x1] =	stream.indirect_vreg.gather [hbm4b:s3+s2], $0x80, v4, vm0, $0xb8;
	[tilespmem:$0x4080] =	vst v63  }
0x1a: {  	_ = 	snop  }
0x1b: {  	[tilespmem:s10], [sflag:$0x1] =	stream.indirect_vreg.gather [hbm4b:s5+s2], $0x80, v4, vm0, $0xb8;
	[tilespmem:$0x4080] =	vst v63  }
0x1c: {  	_ = 	snop  }
0x1d: {  	[tilespmem:s11], [sflag:$0x1] =	stream.indirect_vreg.gather [hbm4b:s3+s2], $0x80, v3, vm0, $0xb8;
	[tilespmem:$0x4080] =	vst v63  }
0x1e: {  	_ = 	snop  }
0x1f: {  	[tilespmem:s12], [sflag:$0x1] =	stream.indirect_vreg.gather [hbm4b:s5+s2], $0x80, v3, vm0, $0xb8;
	[tilespmem:$0x4080] =	vst v63  }
0x20: {  	v3 =	vld [tilespmem:$0x10];
	_ =	sdelay $0x4  }
0x21: {  	v63 =	vshll.u32 v3, $0x2  }
0x22: {  	v3 =	vand.u32 $0x7, v3;
	v4 =	vand.u32 $0xFFFFFFE0, v63  }
0x23: {  	v3 =	vor.u32 v3, v4  }
0x24: {  	v4 =	vperm.xlane v3, v0;
	_ =	sdelay $0x1  }
0x25: {  	v4 =	vadd.s32 v1, v4;
	_ =	sdelay $0x1  }
0x26: {  	v3 =	vperm.xlane v3, v2;
	_ =	sdelay $0x1  }
0x27: {  	v3 =	vadd.s32 v1, v3  }
0x28: {  	[tilespmem:s13], [sflag:$0x1] =	stream.indirect_vreg.gather [hbm4b:s3+s2], $0x80, v4, vm0, $0xb8;
	[tilespmem:$0x4080] =	vst v63  }
0x29: {  	_ = 	snop  }
0x2a: {  	[tilespmem:s14], [sflag:$0x1] =	stream.indirect_vreg.gather [hbm4b:s5+s2], $0x80, v4, vm0, $0xb8;
	[tilespmem:$0x4080] =	vst v63  }
0x2b: {  	_ = 	snop  }
0x2c: {  	[tilespmem:s15], [sflag:$0x1] =	stream.indirect_vreg.gather [hbm4b:s3+s2], $0x80, v3, vm0, $0xb8;
	[tilespmem:$0x4080] =	vst v63  }
0x2d: {  	_ = 	snop  }
0x2e: {  	[tilespmem:s16], [sflag:$0x1] =	stream.indirect_vreg.gather [hbm4b:s5+s2], $0x80, v3, vm0, $0xb8;
	[tilespmem:$0x4080] =	vst v63  }
0x2f: {  	_ =	swait.ge [sflag:s17], $0x4000  }
0x30: {  	p0 =	sne.s32 s7, $0x1;
	[sflag:s17] =	ssyncset.done $0x0  }
.Ltmp0:
0x31: {  	[sflag:s17] =	ssyncadd.s32 $0xFFFFC000;
	(pc) =	sbr.rel @p0 .LBB2_1-.Ltmp0, $4  }
0x32: {  	[hbm4b:s6+s2] =	stream.linear.scatter [tilespmem:s9], [sflag:$0x2], $0x4000, $0x38;
	[tilespmem:$0x4080] =	vst v63  }
0x33: {  	_ =	swait.ge [sflag:s8], $0x4000  }
0x34: {  	[sflag:s8] =	ssyncset.done $0x0  }
0x35: {  	s7 =	sadd.s32 $0xFFFFFFFF, s7;
	[sflag:s8] =	ssyncadd.s32 $0xFFFFC000  }
0x36: {  	_ =	sfence.sel $0x180000  }
0x37: {  	[bflag:$0x0] =	sbarrier.arrive $0xFFFF  }
0x38: {  	p0 =	sne.s32 s1, $0x0;
	_ =	strace $0x9000004A  }
0x39: {  	s0 =	sadd.s32 @!p0 $0x100000, s0;
	[bflag:$0x2] =	sbarrier.arrive $0xFFFF  }
0x3a: {  	[sflag:s0] =	ssyncadd.tile.s32 @!p0 $0x1;
	_ =	shalt  }
.Lfunc_end2:
_tile_overlayer_lowered:
.L_overlay_start_2:
0x3b: {  	(tag) =	ssettag $0x2  }
0x3c: {  	s0 =	rddreg [dreg:$0x0];
	s2 =	stileid.u32  }
0x3d: {  	s1 =	rddreg [dreg:$0x1];
	p0 =	sne.s32 s2, $0x0  }
0x3e: {  	s3 =	rddreg [dreg:$0x2];
	[bflag:$0x3] =	sbarrier.arrive $0xFFFF;
	s2 =	simm.s32 @!p0 $0x1C02  }
0x3f: {  	[timem:s3], [sflag:s2] =	dma.local @!p0 [hbm:s0], s1  }
0x40: {  	s0 =	simm.s32 @!p0 $0x2  }
0x41: {  	_ =	swait.ge @!p0 [sflag:s0], s1  }
0x42: {  	s1 =	ssub.s32 @!p0 $0x0, s1;
	[sflag:s0] =	ssyncset.done @!p0 $0x0  }
0x43: {  	[sflag:s0] =	ssyncadd.s32 @!p0 s1  }
0x44: {  	[bflag:$0x3] =	sbarrier.arrive $0xFFFF  }
0x45: {  	_ =	shalt  }

// kernel: kernel.7.cloned.1.call-start
scs
__scs_entry_jumppad:
0x0: {  	(pc) =	sbr.rel $0x88, $3  }
0x1: {  	(tag) =	ssettag $0x0;
	lr =	simm.s32 $0x1  }
0x2: {  	[smem:$0x3F9A] =	sst lr;
	_ =	strace $0xD0000000  }
0x3: {  	_ = 	snop  }
0x4: {  	_ = 	snop  }
0x5: {  	_ = 	snop  }
0x6: {  	_ = 	snop  }
0x7: {  	_ = 	snop  }
__scs_overlays_trampoline_lowered:
0x8: {  	[smem:$0x3FA9] =	sst s0  }
0x9: {  	[smem:$0x3FAA] =	sst s1  }
0xa: {  	[smem:$0x3FAB] =	sst s2  }
0xb: {  	[smem:$0x3FAC] =	sst s3  }
0xc: {  	[smem:$0x3FAD] =	sst s4  }
0xd: {  	[smem:$0x3FAE] =	sst s5  }
0xe: {  	[smem:$0x3FAF] =	sst s6  }
0xf: {  	[smem:$0x3FB0] =	sst s7  }
0x10: {  	[smem:$0x3FB1] =	sst s8  }
0x11: {  	[smem:$0x3FB2] =	sst s9;
	s0 =	simm.s32 @!p0 $0x0  }
0x12: {  	s1 =	sld [smem:$0x3F98];
	s0 =	simm.s32 @p0 $0x1  }
0x13: {  	[smem:$0x3FB3] =	sst s0;
	s0 =	simm.s32 @!p1 $0x0  }
0x14: {  	s2 =	sld [smem:$0x3F97];
	s0 =	simm.s32 @p1 $0x1  }
0x15: {  	[smem:$0x3FB4] =	sst s0;
	s0 =	simm.s32 @!p2 $0x0  }
0x16: {  	s3 =	sld [smem:$0x3FDB];
	s0 =	simm.s32 @p2 $0x1  }
0x17: {  	s4 =	simm.s32 $0x1BF5;
	[smem:$0x3FB6] =	sst s0  }
0x18: {  	s0 =	sld [smem:$0x3F99];
	_ =	swait.ge [sflag:s4], $0x0  }
0x19: {  	s7 =	sld [smem:$0x3F9A]  }
0x1a: {  	s8 =	sadd.s32 $0xFFFFE003, lr  }
0x1b: {  	s9 =	sadd.s32 $0xFFFFFEF7, lr;
	s5 =	simm.s32 $0xFFFFFFFF;
	p2 =	slt.u32 s8, $0xFFFFF086  }
0x1c: {  	p1 =	slt.u32 s9, $0xF7A;
	s5 =	simm.s32 @!p2 $0x0  }
0x1d: {  	s5 =	simm.s32 @p1 $0x1;
	p0 =	seq.s32 s7, s2  }
0x1e: {  	s7 =	smul.u32 @!p0 $0xF7A, s2;
	p2 =	seq.s32 @!p0 s5, $0x0  }
0x1f: {  	s9 =	smul.u32 $0xF7A, s1;
	s8 =	simm.s32 @!p0 $0x1BF5;
	p2 =	por !p2, p0  }
0x20: {  	[sflag:s8] =	ssyncset.s32 @!p0 $0xFFFFF086;
	s6 =	sadd.s32 @!p0 s3, s7;
	s7 =	simm.s32 @!p0 $0x108  }
0x21: {  	s3 =	sadd.s32 s3, s9;
	s6 =	sadd.s32 @!p0 $0x88, s6;
	s7 =	simm.s32 @p2 $0x1082  }
0x22: {  	[simem:s7], [sflag:s8] =	dma.local @!p0 [hbm:s6], $0xF7A  }
0x23: {  	s9 =	sor.u32 $0xD0000000, s2;
	s6 =	simm.s32 $0x108;
	_ =	swait.ge @!p0 [sflag:s8], $0x0  }
0x24: {  	s3 =	sadd.s32 $0x88, s3;
	s6 =	simm.s32 @!p1 $0x1082;
	[sflag:s4] =	ssyncset.s32 $0xFFFFF086  }
0x25: {  	[simem:s6], [sflag:s4] =	dma.local [hbm:s3], $0xF7A  }
0x26: {  	[smem:$0x3F9A] =	sst s1;
	(tag) =	ssettag s2;
	_ =	strace s9  }
0x27: {  	s1 =	sld [smem:$0x3FAA]  }
0x28: {  	s2 =	sld [smem:$0x3FAB]  }
0x29: {  	s4 =	sld [smem:$0x3FAD]  }
0x2a: {  	p0 =	seq.s32 s5, $0x0;
	s5 =	sld [smem:$0x3FAE]  }
0x2b: {  	s6 =	sld [smem:$0x3FAF]  }
0x2c: {  	s7 =	sld [smem:$0x3FB0]  }
0x2d: {  	s3 =	simm.s32 $0x108;
	s8 =	sld [smem:$0x3FB1]  }
0x2e: {  	s3 =	simm.s32 @!p0 $0x1082;
	s9 =	sld [smem:$0x3FB2]  }
0x2f: {  	lr =	sadd.s32 s0, s3;
	s0 =	sld [smem:$0x3FA9]  }
0x30: {  	s3 =	sld [smem:$0x3FAC]  }
0x31: {  	[smem:$0x3FB5] =	sst s10  }
0x32: {  	s10 =	sld [smem:$0x3FB3];
	_ =	sdelay $0x3  }
0x33: {  	p0 =	seq.s32 s10, $0x1;
	s10 =	sld [smem:$0x3FB5];
	_ =	sdelay $0x3  }
0x34: {  	[smem:$0x3FB5] =	sst s10  }
0x35: {  	s10 =	sld [smem:$0x3FB4];
	_ =	sdelay $0x3  }
0x36: {  	p1 =	seq.s32 s10, $0x1;
	s10 =	sld [smem:$0x3FB5];
	_ =	sdelay $0x3  }
0x37: {  	[smem:$0x3FB5] =	sst s10  }
0x38: {  	s10 =	sld [smem:$0x3FB6]  }
0x39: {  	_ = 	snop;
	(pc) =	sbr.ind lr, $3  }
0x3a: {  	_ = 	snop  }
0x3b: {  	_ = 	snop  }
0x3c: {  	p2 =	seq.s32 s10, $0x1;
	s10 =	sld [smem:$0x3FB5]  }
0x3d: {  	_ =	shalt  }
0x3e: {  	_ =	shalt  }
0x3f: {  	_ =	shalt  }
0x40: {  	_ =	shalt  }
0x41: {  	_ =	shalt  }
0x42: {  	_ =	shalt  }
0x43: {  	_ =	shalt  }
0x44: {  	_ =	shalt  }
0x45: {  	_ =	shalt  }
0x46: {  	_ =	shalt  }
0x47: {  	_ =	shalt  }
0x48: {  	_ =	shalt  }
0x49: {  	_ =	shalt  }
0x4a: {  	_ =	shalt  }
0x4b: {  	_ =	shalt  }
0x4c: {  	_ =	shalt  }
0x4d: {  	_ =	shalt  }
0x4e: {  	_ =	shalt  }
0x4f: {  	_ =	shalt  }
0x50: {  	_ =	shalt  }
0x51: {  	_ =	shalt  }
0x52: {  	_ =	shalt  }
0x53: {  	_ =	shalt  }
0x54: {  	_ =	shalt  }
0x55: {  	_ =	shalt  }
0x56: {  	_ =	shalt  }
0x57: {  	_ =	shalt  }
0x58: {  	_ =	shalt  }
0x59: {  	_ =	shalt  }
0x5a: {  	_ =	shalt  }
0x5b: {  	_ =	shalt  }
0x5c: {  	_ =	shalt  }
0x5d: {  	_ =	shalt  }
0x5e: {  	_ =	shalt  }
0x5f: {  	_ =	shalt  }
0x60: {  	_ =	shalt  }
0x61: {  	_ =	shalt  }
0x62: {  	_ =	shalt  }
0x63: {  	_ =	shalt  }
0x64: {  	_ =	shalt  }
0x65: {  	_ =	shalt  }
0x66: {  	_ =	shalt  }
0x67: {  	_ =	shalt  }
0x68: {  	_ =	shalt  }
0x69: {  	_ =	shalt  }
0x6a: {  	_ =	shalt  }
0x6b: {  	_ =	shalt  }
0x6c: {  	_ =	shalt  }
0x6d: {  	_ =	shalt  }
0x6e: {  	_ =	shalt  }
0x6f: {  	_ =	shalt  }
0x70: {  	_ =	shalt  }
0x71: {  	_ =	shalt  }
0x72: {  	_ =	shalt  }
0x73: {  	_ =	shalt  }
0x74: {  	_ =	shalt  }
0x75: {  	_ =	shalt  }
0x76: {  	_ =	shalt  }
0x77: {  	_ =	shalt  }
0x78: {  	_ =	shalt  }
0x79: {  	_ =	shalt  }
0x7a: {  	_ =	shalt  }
0x7b: {  	_ =	shalt  }
0x7c: {  	_ =	shalt  }
0x7d: {  	_ =	shalt  }
0x7e: {  	_ =	shalt  }
0x7f: {  	_ =	shalt  }
0x80: {  	_ =	shalt  }
0x81: {  	_ =	shalt  }
0x82: {  	_ =	shalt  }
0x83: {  	_ =	shalt  }
0x84: {  	_ =	shalt  }
0x85: {  	_ =	shalt  }
0x86: {  	_ =	shalt  }
0x87: {  	_ =	shalt  }
.Lfunc_end0:
.L_simem_size_0:
called_computation_lowered:
.L_overlay_start_0:
0x88: {  	s2 =	sld [smem:$0x3FD9]  }
0x89: {  	s3 =	sld [smem:$0x3FFE];
	_ =	sdelay $0x1  }
0x8a: {  	s1 =	srdreg.scid  }
0x8b: {  	s0 =	sand.u32 $0x1, s1  }
0x8c: {  	s14 =	sshll.u32 s0, $0xA;
	s2 =	sadd.s32 s3, s2  }
0x8d: {  	s2 =	sadd.s32 s2, s14  }
0x8e: {  	[smem:$0x3FC1] =	sst s2  }
0x8f: {  	_ = 	snop  }
0x90: {  	s2 =	sld [smem:$0x3FD0];
	_ =	sdelay $0x2  }
0x91: {  	s4 =	simm.s32 $0xA;
	s5 =	simm.s32 $0x10;
	s15 =	sld [smem:$0x3FC9]  }
0x92: {  	[smem:s5], [sflag:s4] =	dma.local [hbm:s2], $0x1  }
0x93: {  	_ =	swait.eq [sflag:s4], $0x1  }
0x94: {  	[sflag:s4] =	ssyncset.done $0x0  }
0x95: {  	[sflag:s4] =	ssyncadd.s32 $0xFFFFFFFF  }
0x96: {  	s16 =	sld [smem:$0x10];
	(tm) =	ssettm $0x1  }
0x97: {  	s17 =	sld [smem:$0x3FFB];
	_ =	sdelay $0x3  }
0x98: {  	_ =	strace s17  }
0x99: {  	s4 =	sld [smem:$0x3FFC];
	_ =	sdelay $0x3  }
0x9a: {  	_ =	strace s4  }
0x9b: {  	s4 =	sld [smem:$0x3FFD];
	_ =	sdelay $0x3  }
0x9c: {  	_ =	strace s4  }
0x9d: {  	_ =	strace $0x8FFFFFFF  }
0x9e: {  	s18 =	sld [smem:$0x3FDB];
	_ =	sdelay $0x1  }
0x9f: {  	s19 =	simm.s32 $_scs_section_size  }
0xa0: {  	s6 =	simm.s32 $_size__tile_overlayer_lowered;
	s7 =	simm.s32 $_tile_overlayer_lowered  }
0xa1: {  	s22 =	simm.s32 $0x1BFF;
	s21 =	sshll.u32 s7, $0x1;
	s4 =	sadd.s32 s19, s18  }
0xa2: {  	s8 =	simm.s32 $0x0;
	s20 =	sshll.u32 s6, $0x1;
	s6 =	sadd.s32 s21, s4  }
0xa3: {  	[timem:s8], [sflag:s22] =	dma.local [hbm:s6], s20  }
0xa4: {  	_ =	swait.ge [sflag:s22], s20  }
0xa5: {  	s5 =	ssub.s32 $0x0, s20;
	[sflag:s22] =	ssyncset.done $0x0  }
0xa6: {  	[sflag:s22] =	ssyncadd.s32 s5;
	_ =	sdelay $0x1  }
0xa7: {  	s23 =	simm.s32 $0x1B8B  }
0xa8: {  	_ =	swait.ge [sflag:s23], $0x1  }
0xa9: {  	[sflag:s23] =	ssyncset.done $0x0  }
0xaa: {  	s25 =	simm.s32 $0x1B8E;
	s24 =	sld [smem:$0x3FFE];
	[sflag:s23] =	ssyncadd.s32 $0xFFFFFFFF  }
0xab: {  	s26 =	simm.s32 $execute0_lowered;
	[smem:$0x3FD2] =	sst s25  }
0xac: {  	s6 =	sshll.u32 s26, $0x1;
	_ =	strace $0x80000046;
	[dreg:$0x1] =	wrdreg $0xFFFFFFFF  }
0xad: {  	s28 =	simm.s32 $_size_execute0_lowered;
	s4 =	sadd.s32 s4, s6;
	[dreg:$0x0] =	wrdreg $0x0  }
0xae: {  	s6 =	sshll.u32 s28, $0x1;
	[dreg:$0x2] =	wrdreg s4  }
0xaf: {  	[dreg:$0x3] =	wrdreg s6  }
0xb0: {  	[dreg:$0x4] =	wrdreg $0xC0  }
0xb1: {  	_ =	task [dreg:s8], $0x5FFFF  }
0xb2: {  	[dreg:$0x1] =	wrdreg $0xFFFFFFFF  }
0xb3: {  	[dreg:$0x0] =	wrdreg $0x60  }
0xb4: {  	[dreg:$0x2] =	wrdreg s15  }
0xb5: {  	[dreg:$0x3] =	wrdreg s16  }
0xb6: {  	[dreg:$0x4] =	wrdreg s24  }
0xb7: {  	[dreg:$0x5] =	wrdreg $0x9  }
0xb8: {  	_ =	task.clear_ibuf [dreg:s8], $0x6FFFF;
	_ =	strace $0x90000046  }
0xb9: {  	s29 =	simm.s32 $0x9;
	_ =	strace $0x80000048  }
0xba: {  	_ =	swait.ge [sflag:s29], $0x1  }
0xbb: {  	[sflag:s29] =	ssyncadd.s32 $0xFFFFFFFF  }
0xbc: {  	_ =	strace $0x90000048  }
0xbd: {  	_ =	sfence  }
0xbe: {  	s30 =	sld [smem:$0x0];
	_ =	sdelay $0x2  }
0xbf: {  	s31 =	sshll.u32 s1, $0xD;
	s1 =	sshrl.u32 s1, $0x2  }
0xc0: {  	s3 =	sand.u32 $0x4000, s31;
	s1 =	sadd.s32 s1, s30  }
0xc1: {  	s0 =	sor.u32 s3, s0;
	s1 =	sshll.u32 s1, $0x11  }
0xc2: {  	s0 =	sor.u32 s1, s0  }
0xc3: {  	s0 =	sadd.s32 $0x8F2B, s0  }
0xc4: {  	[sflag:s0] =	ssyncadd.remote.s32 $0x1  }
0xc5: {  	_ =	sfence.sel $0xFFFF  }
0xc6: {  	[dreg:$0x0] =	wrdreg $0xFFFFFFFF;
	(pc) =	sbr.abs _section_cstart, $3  }
0xc7: {  	[dreg:$0x1] =	wrdreg $0xFFFFFFFF  }
0xc8: {  	_ =	task.clear_ibuf [dreg:s8], $0x2FFFF;
	_ =	strace $0x9FFFFFFF  }
0xc9: {  	(tm) =	ssettm $0x7FFFFFFF  }
tec
execute0_lowered:
.L_overlay_start_1:
0x0: {  	(tag) =	ssettag $0x1  }
0x1: {  	s1 =	rddreg [dreg:$0x0];
	s2 =	srdreg.scid  }
0x2: {  	s4 =	rddreg [dreg:$0x1];
	s0 =	stileid.u32  }
0x3: {  	s6 =	rddreg [dreg:$0x2];
	s3 =	simm.s32 $0x0;
	s10 =	simm.s32 $0x80  }
0x4: {  	s11 =	simm.s32 $0x880;
	s12 =	simm.s32 $0x1080;
	s13 =	simm.s32 $0x1880  }
0x5: {  	s14 =	simm.s32 $0x2080;
	s15 =	simm.s32 $0x2880;
	s16 =	simm.s32 $0x3080  }
0x6: {  	s17 =	simm.s32 $0x3880;
	s18 =	simm.s32 $0x4080;
	s19 =	simm.s32 $0x4880  }
0x7: {  	s20 =	simm.s32 $0x5080;
	s21 =	simm.s32 $0x5880;
	s5 =	sand.u32 $0x1, s2  }
0x8: {  	s22 =	simm.s32 $0x1;
	s7 =	sshll.u32 s0, $0x3;
	s8 =	sshll.u32 s5, $0x2  }
0x9: {  	s2 =	rddreg [dreg:$0x3];
	s5 =	ssub.s32 $0x2, s5;
	s7 =	sor.u32 s8, s7  }
0xa: {  	[smem:$0x7FF] =	sst s3;
	s9 =	sshrl.u32 s5, $0x1;
	s8 =	smul.u32 $0x300, s7  }
0xb: {  	v2 =	vlaneseq.u32;
	_ =	strace $0x80000047;
	s9 =	ssub.s32 s5, s9;
	s4 =	sadd.s32 s4, s7  }
0xc: {  	vm0 =	vmmov $0xffff;
	v1 =	vshrl.u32 v2, $0x3;
	s5 =	sadd.s32 $0x100, s1;
	s8 =	sadd.s32 s8, s6;
	s6 =	sadd.s32 $0x200, s1  }
0xd: {  	v0 =	vand.u32 $0x7, v2;
	v2 =	vor.u32 $0x8, v2;
	v1 =	vmul.u32 $0x8, v1;
	s7 =	sadd.s32 $0x1A00, s8;
	s8 =	smax.u32 s9, $0x1;
	s9 =	simm.s32 $0x2  }
.LBB2_1:
0xe: {  	[tilespmem:s3], [sflag:$0x2] =	stream.linear.gather [hbm4b:s4+s3], $0x20, $0x38;
	[tilespmem:$0x6080] =	vst v63  }
0xf: {  	_ =	swait.ge [sflag:s9], $0x20  }
0x10: {  	[sflag:s9] =	ssyncset.done $0x0  }
0x11: {  	[sflag:s9] =	ssyncadd.s32 $0xFFFFFFE0  }
0x12: {  	v3 =	vld [tilespmem:$0x0];
	_ =	sdelay $0x4  }
0x13: {  	v4 =	vshrl.u32 v3, $0x3  }
0x14: {  	v4 =	vmul.u32 $0x30, v4  }
0x15: {  	v3 =	vand.u32 $0x7, v3  }
0x16: {  	v3 =	vor.u32 v3, v4  }
0x17: {  	v4 =	vperm.xlane v3, v0;
	_ =	sdelay $0x1  }
0x18: {  	v4 =	vadd.s32 v1, v4;
	_ =	sdelay $0x3  }
0x19: {  	v3 =	vperm.xlane v3, v2  }
0x1a: {  	[tilespmem:s10], [sflag:$0x1] =	stream.indirect_vreg.gather [hbm4b:s1+s3], $0x80, v4, vm0, $0xb8;
	[tilespmem:$0x6080] =	vst v63  }
0x1b: {  	v3 =	vadd.s32 v1, v3  }
0x1c: {  	[tilespmem:s11], [sflag:$0x1] =	stream.indirect_vreg.gather [hbm4b:s5+s3], $0x80, v4, vm0, $0xb8;
	[tilespmem:$0x6080] =	vst v63  }
0x1d: {  	_ = 	snop  }
0x1e: {  	[tilespmem:s12], [sflag:$0x1] =	stream.indirect_vreg.gather [hbm4b:s6+s3], $0x80, v4, vm0, $0xb8;
	[tilespmem:$0x6080] =	vst v63  }
0x1f: {  	_ = 	snop  }
0x20: {  	[tilespmem:s13], [sflag:$0x1] =	stream.indirect_vreg.gather [hbm4b:s1+s3], $0x80, v3, vm0, $0xb8;
	[tilespmem:$0x6080] =	vst v63  }
0x21: {  	_ = 	snop  }
0x22: {  	[tilespmem:s14], [sflag:$0x1] =	stream.indirect_vreg.gather [hbm4b:s5+s3], $0x80, v3, vm0, $0xb8;
	[tilespmem:$0x6080] =	vst v63  }
0x23: {  	_ = 	snop  }
0x24: {  	[tilespmem:s15], [sflag:$0x1] =	stream.indirect_vreg.gather [hbm4b:s6+s3], $0x80, v3, vm0, $0xb8;
	[tilespmem:$0x6080] =	vst v63  }
0x25: {  	v3 =	vld [tilespmem:$0x10];
	_ =	sdelay $0x4  }
0x26: {  	v63 =	vshrl.u32 v3, $0x3  }
0x27: {  	v4 =	vmul.u32 $0x30, v63  }
0x28: {  	v3 =	vand.u32 $0x7, v3  }
0x29: {  	v3 =	vor.u32 v3, v4  }
0x2a: {  	v4 =	vperm.xlane v3, v0;
	_ =	sdelay $0x1  }
0x2b: {  	v4 =	vadd.s32 v1, v4;
	_ =	sdelay $0x3  }
0x2c: {  	v3 =	vperm.xlane v3, v2  }
0x2d: {  	[tilespmem:s16], [sflag:$0x1] =	stream.indirect_vreg.gather [hbm4b:s1+s3], $0x80, v4, vm0, $0xb8;
	[tilespmem:$0x6080] =	vst v63  }
0x2e: {  	v3 =	vadd.s32 v1, v3  }
0x2f: {  	[tilespmem:s17], [sflag:$0x1] =	stream.indirect_vreg.gather [hbm4b:s5+s3], $0x80, v4, vm0, $0xb8;
	[tilespmem:$0x6080] =	vst v63  }
0x30: {  	_ = 	snop  }
0x31: {  	[tilespmem:s18], [sflag:$0x1] =	stream.indirect_vreg.gather [hbm4b:s6+s3], $0x80, v4, vm0, $0xb8;
	[tilespmem:$0x6080] =	vst v63  }
0x32: {  	_ = 	snop  }
0x33: {  	[tilespmem:s19], [sflag:$0x1] =	stream.indirect_vreg.gather [hbm4b:s1+s3], $0x80, v3, vm0, $0xb8;
	[tilespmem:$0x6080] =	vst v63  }
0x34: {  	_ = 	snop  }
0x35: {  	[tilespmem:s20], [sflag:$0x1] =	stream.indirect_vreg.gather [hbm4b:s5+s3], $0x80, v3, vm0, $0xb8;
	[tilespmem:$0x6080] =	vst v63  }
0x36: {  	_ = 	snop  }
0x37: {  	[tilespmem:s21], [sflag:$0x1] =	stream.indirect_vreg.gather [hbm4b:s6+s3], $0x80, v3, vm0, $0xb8;
	[tilespmem:$0x6080] =	vst v63  }
0x38: {  	_ =	swait.ge [sflag:s22], $0x6000  }
0x39: {  	p0 =	sne.s32 s8, $0x1;
	[sflag:s22] =	ssyncset.done $0x0  }
.Ltmp0:
0x3a: {  	[sflag:s22] =	ssyncadd.s32 $0xFFFFA000;
	(pc) =	sbr.rel @p0 .LBB2_1-.Ltmp0, $4  }
0x3b: {  	[hbm4b:s7+s3] =	stream.linear.scatter [tilespmem:s10], [sflag:$0x2], $0x6000, $0x38;
	[tilespmem:$0x6080] =	vst v63  }
0x3c: {  	_ =	swait.ge [sflag:s9], $0x6000  }
0x3d: {  	[sflag:s9] =	ssyncset.done $0x0  }
0x3e: {  	s8 =	sadd.s32 $0xFFFFFFFF, s8;
	[sflag:s9] =	ssyncadd.s32 $0xFFFFA000  }
0x3f: {  	_ =	sfence.sel $0x180000  }
0x40: {  	[bflag:$0x0] =	sbarrier.arrive $0xFFFF  }
0x41: {  	p0 =	sne.s32 s0, $0x0;
	_ =	strace $0x90000047  }
0x42: {  	s0 =	sadd.s32 @!p0 $0x100000, s2;
	[bflag:$0x2] =	sbarrier.arrive $0xFFFF  }
0x43: {  	[sflag:s0] =	ssyncadd.tile.s32 @!p0 $0x1;
	_ =	shalt  }
.Lfunc_end2:
_tile_overlayer_lowered:
.L_overlay_start_2:
0x44: {  	(tag) =	ssettag $0x2  }
0x45: {  	s0 =	rddreg [dreg:$0x0];
	s2 =	stileid.u32  }
0x46: {  	s1 =	rddreg [dreg:$0x1];
	p0 =	sne.s32 s2, $0x0  }
0x47: {  	s3 =	rddreg [dreg:$0x2];
	[bflag:$0x3] =	sbarrier.arrive $0xFFFF;
	s2 =	simm.s32 @!p0 $0x1C02  }
0x48: {  	[timem:s3], [sflag:s2] =	dma.local @!p0 [hbm:s0], s1  }
0x49: {  	s0 =	simm.s32 @!p0 $0x2  }
0x4a: {  	_ =	swait.ge @!p0 [sflag:s0], s1  }
0x4b: {  	s1 =	ssub.s32 @!p0 $0x0, s1;
	[sflag:s0] =	ssyncset.done @!p0 $0x0  }
0x4c: {  	[sflag:s0] =	ssyncadd.s32 @!p0 s1  }
0x4d: {  	[bflag:$0x3] =	sbarrier.arrive $0xFFFF  }
0x4e: {  	_ =	shalt  }

</sc_bundles>
